<compile_context>
chip_gen: v7x
topology: tpu7x:2x2x1
jax: 0.10.2.dev20260603
libtpu: 0.0.44.dev20260713+nightly
codegen_flags: <defaults>
</compile_context>

<pallas_src>
import functools

import jax
import jax.numpy as jnp
from jax import lax
from jax.experimental import pallas as pl
from jax.experimental.pallas import tpu as pltpu
from jax.experimental.pallas import tpu_sc as plsc

N = 10000
E = 320000
D_IN = 128
HID = 64
D_OUT = 128
NG = 16

NC = 2
NS = 16
NW = NC * NS
CHUNK = 128
NCH = -(-E // (NW * CHUNK))
EPAD = NW * NCH * CHUNK
N_ACC = N + 112
RPS = N_ACC // NS

_MESH = plsc.VectorSubcoreMesh(core_axis_name="c", subcore_axis_name="s")



def _deg_body(dst_hbm, ones_hbm, zeros_hbm, out_hbm, dst_v, ones_v, sem, acc_sh):
    cid = lax.axis_index("c")
    sid = lax.axis_index("s")
    wid = sid * NC + cid
    row = pl.ds(sid * RPS, RPS)
    pltpu.sync_copy(zeros_hbm.at[row], acc_sh.at[row])
    pltpu.sync_copy(ones_hbm, ones_v)
    pltpu.async_copy(dst_hbm.at[wid], dst_v, sem).wait()
    plsc.subcore_barrier()

    def body(j, c):
        pltpu.sync_copy(ones_v, acc_sh.at[dst_v.at[j]], add=True)
        return c

    lax.fori_loop(0, NCH, body, 0, unroll=False)
    plsc.subcore_barrier()
    pltpu.sync_copy(acc_sh.at[row], out_hbm.at[cid, row])


_deg_pass = functools.partial(
    pl.kernel,
    compiler_params=pltpu.CompilerParams(use_tc_tiling_on_sc=False),
    out_type=jax.ShapeDtypeStruct((NC, N_ACC, 16), jnp.float32),
    mesh=_MESH,
    scratch_types=[
        pltpu.VMEM((NCH, CHUNK), jnp.int32),
        pltpu.VMEM((CHUNK, 16), jnp.float32),
        pltpu.SemaphoreType.DMA,
        pltpu.VMEM_SHARED((N_ACC, 16), jnp.float32),
    ],
)(_deg_body)


def _edge_body(u_hbm, src_hbm, dst_hbm, zeros_hbm, out_hbm,
               src_v, dst_v, rows, gsems, sem_i, acc_sh):
    cid = lax.axis_index("c")
    sid = lax.axis_index("s")
    wid = sid * NC + cid
    row = pl.ds(sid * RPS, RPS)
    pltpu.sync_copy(zeros_hbm.at[row], acc_sh.at[row])
    pltpu.async_copy(src_hbm.at[wid], src_v, sem_i).wait()
    pltpu.async_copy(dst_hbm.at[wid], dst_v, sem_i).wait()
    plsc.subcore_barrier()

    pltpu.async_copy(u_hbm.at[src_v.at[0]], rows[0], gsems[0])

    def body(j, c):
        for b in range(2):
            on = lax.rem(j, 2) == b

            @pl.when(on)
            def _():
                pltpu.make_async_copy(u_hbm.at[src_v.at[j]], rows[b], gsems[b]).wait()

                @pl.when(j + 1 < NCH)
                def _():
                    bb = (b + 1) % 2
                    pltpu.async_copy(u_hbm.at[src_v.at[j + 1]], rows[bb], gsems[bb])
                pltpu.sync_copy(rows[b], acc_sh.at[dst_v.at[j]], add=True)
        return c

    lax.fori_loop(0, NCH, body, 0, unroll=False)
    plsc.subcore_barrier()
    pltpu.sync_copy(acc_sh.at[row], out_hbm.at[cid, row])


_edge_pass = functools.partial(
    pl.kernel,
    compiler_params=pltpu.CompilerParams(use_tc_tiling_on_sc=False),
    out_type=jax.ShapeDtypeStruct((NC, N_ACC, HID), jnp.bfloat16),
    mesh=_MESH,
    scratch_types=[
        pltpu.VMEM((NCH, CHUNK), jnp.int32),
        pltpu.VMEM((NCH, CHUNK), jnp.int32),
        [pltpu.VMEM((CHUNK, HID), jnp.bfloat16)] * 2,
        [pltpu.SemaphoreType.DMA] * 2,
        pltpu.SemaphoreType.DMA,
        pltpu.VMEM_SHARED((N_ACC, HID), jnp.bfloat16),
    ],
)(_edge_body)



def _dis(degp):
    deg = degp[0, :, 0:1] + degp[1, :, 0:1] + 1.0
    return lax.rsqrt(deg)[:N, :]


def _stage_a(degp_ref, x_ref, w1_ref, u1_ref):
    h = jnp.dot(x_ref[...], w1_ref[...], preferred_element_type=jnp.float32)
    u1_ref[...] = (h * _dis(degp_ref[...])).astype(jnp.bfloat16)


def _stage_mid(degp_ref, accp_ref, u_ref, b_ref, w_ref, u2_ref):
    dis = _dis(degp_ref[...])
    acc = (accp_ref[0, :N, :].astype(jnp.float32)
           + accp_ref[1, :N, :].astype(jnp.float32)
           + u_ref[...].astype(jnp.float32))
    h = jnp.maximum(dis * acc + b_ref[...], 0.0)
    u2_ref[...] = (jnp.dot(h, w_ref[...], preferred_element_type=jnp.float32)
                   * dis).astype(jnp.bfloat16)


def _stage_out(degp_ref, accp_ref, u_ref, b_ref, batch_ref, wl_ref, bl_ref, z_ref):
    dis = _dis(degp_ref[...])
    acc = (accp_ref[0, :N, :].astype(jnp.float32)
           + accp_ref[1, :N, :].astype(jnp.float32)
           + u_ref[...].astype(jnp.float32))
    h = jnp.maximum(dis * acc + b_ref[...], 0.0)
    gid = lax.broadcasted_iota(jnp.int32, (NG, N), 0)
    sel = (jnp.broadcast_to(batch_ref[...], (NG, N)) == gid).astype(jnp.float32)
    sums = jnp.dot(sel, h, preferred_element_type=jnp.float32)
    counts = jnp.sum(sel, axis=1, keepdims=True)
    g = sums / jnp.maximum(counts, 1.0)
    z_ref[...] = jnp.dot(g, wl_ref[...], preferred_element_type=jnp.float32) + bl_ref[...]


def kernel(x, edge_index, batch, W1, b1, W2, b2, Wl, bl):
    src = edge_index[0]
    dst = edge_index[1]
    fill = EPAD - E
    srcp = jnp.concatenate([src, jnp.zeros((fill,), jnp.int32)]).reshape(NW, NCH, CHUNK)
    dstp = jnp.concatenate([dst, jnp.full((fill,), N, jnp.int32)]).reshape(NW, NCH, CHUNK)
    ones16 = jnp.ones((CHUNK, 16), jnp.float32)
    zeros16 = jnp.zeros((N_ACC, 16), jnp.float32)
    zeros64 = jnp.zeros((N_ACC, HID), jnp.bfloat16)

    degp = _deg_pass(dstp, ones16, zeros16)

    u1 = pl.pallas_call(
        _stage_a,
        out_shape=jax.ShapeDtypeStruct((N, HID), jnp.bfloat16),
    )(degp, x, W1)

    acc1 = _edge_pass(u1, srcp, dstp, zeros64)

    u2 = pl.pallas_call(
        _stage_mid,
        out_shape=jax.ShapeDtypeStruct((N, HID), jnp.bfloat16),
    )(degp, acc1, u1, b1.reshape(1, HID), W2)

    acc2 = _edge_pass(u2, srcp, dstp, zeros64)

    z = pl.pallas_call(
        _stage_out,
        out_shape=jax.ShapeDtypeStruct((NG, D_OUT), jnp.float32),
    )(degp, acc2, u2, b2.reshape(1, HID), batch.reshape(1, N), Wl, bl.reshape(1, D_OUT))
    return z

# --- scband reference (transcript-rebuilt; emitter-appended) ---
"""Pipeline reference for scband-graph-encoder-53214644797442 (READ-ONLY COPY).

The authoritative reference and input builder live on the scoring server;
editing this copy changes nothing except your own understanding.
"""

import jax, jax.numpy as jnp
import numpy as np

N = 10000
E = 320000
D_IN = 128
H = 64
D_OUT = 128
B = 16


def gcn_conv(x, edge_index, W, b, num_nodes):
    # PyG GCNConv: add self-loops, symmetric normalization, linear transform, scatter-add aggregate
    src = edge_index[0]
    dst = edge_index[1]
    loop = jnp.arange(num_nodes, dtype=src.dtype)
    src = jnp.concatenate([src, loop])
    dst = jnp.concatenate([dst, loop])
    deg = jnp.zeros((num_nodes,), dtype=x.dtype).at[dst].add(1.0)
    deg_inv_sqrt = jnp.where(deg > 0, deg ** -0.5, 0.0)
    norm = deg_inv_sqrt[src] * deg_inv_sqrt[dst]
    h = x @ W  # [N, out]
    msg = h[src] * norm[:, None]
    out = jnp.zeros((num_nodes, h.shape[1]), dtype=x.dtype).at[dst].add(msg)
    return out + b


def global_mean_pool(x, batch, num_graphs):
    sums = jax.ops.segment_sum(x, batch, num_segments=num_graphs)
    counts = jax.ops.segment_sum(jnp.ones((x.shape[0],), dtype=x.dtype), batch, num_segments=num_graphs)
    counts = jnp.maximum(counts, 1.0)
    return sums / counts[:, None]


def setup_inputs(seed: int = 0) -> dict:
    key = jax.random.key(seed)
    ks = jax.random.split(key, 9)
    x = jax.random.normal(ks[0], (N, D_IN), dtype=jnp.float32)
    edge_index = jax.random.randint(ks[1], (2, E), 0, N, dtype=jnp.int32)
    batch = jnp.sort(jax.random.randint(ks[2], (N,), 0, B, dtype=jnp.int32))
    W1 = jax.random.normal(ks[3], (D_IN, H), dtype=jnp.float32) * (1.0 / np.sqrt(D_IN))
    b1 = jnp.zeros((H,), dtype=jnp.float32)
    W2 = jax.random.normal(ks[4], (H, H), dtype=jnp.float32) * (1.0 / np.sqrt(H))
    b2 = jnp.zeros((H,), dtype=jnp.float32)
    Wl = jax.random.normal(ks[5], (H, D_OUT), dtype=jnp.float32) * (1.0 / np.sqrt(H))
    bl = jnp.zeros((D_OUT,), dtype=jnp.float32)
    return {"x": x, "edge_index": edge_index, "batch": batch,
            "W1": W1, "b1": b1, "W2": W2, "b2": b2, "Wl": Wl, "bl": bl}


def reference(x, edge_index, batch, W1, b1, W2, b2, Wl, bl):
    h = gcn_conv(x, edge_index, W1, b1, N)
    h = jax.nn.relu(h)
    h = gcn_conv(h, edge_index, W2, b2, N)
    h = jax.nn.relu(h)
    g = global_mean_pool(h, batch, B)
    z = g @ Wl + bl
    return z

if __name__ == "__main__":
    import jax
    _d = setup_inputs()
    print(jax.jit(kernel)(*tuple(_d.values())))

</pallas_src>

<mosaic_0001>
#map = affine_map<(d0, d1) -> (0, 0)>
#map1 = affine_map<(d0, d1) -> (0, 0, 0)>
module attributes {stable_mosaic.version = 14 : i64} {
  func.func @_edge_body(%arg0: i32, %arg1: i32, %arg2: memref<10000x64xbf16, #tpu.memory_space<hbm>>, %arg3: memref<32x79x128xi32, #tpu.memory_space<hbm>>, %arg4: memref<32x79x128xi32, #tpu.memory_space<hbm>>, %arg5: memref<10112x64xbf16, #tpu.memory_space<hbm>>, %arg6: memref<2x10112x64xbf16, #tpu.memory_space<hbm>>, %arg7: memref<79x128xi32, #tpu.memory_space<vmem>>, %arg8: memref<79x128xi32, #tpu.memory_space<vmem>>, %arg9: memref<128x64xbf16, #tpu.memory_space<vmem>>, %arg10: memref<128x64xbf16, #tpu.memory_space<vmem>>, %arg11: memref<!tpu.dma_semaphore, #tpu.memory_space<semaphore_mem>>, %arg12: memref<!tpu.dma_semaphore, #tpu.memory_space<semaphore_mem>>, %arg13: memref<!tpu.dma_semaphore, #tpu.memory_space<semaphore_mem>>, %arg14: memref<10112x64xbf16, #tpu.memory_space<vmem_shared>>) attributes {dimension_semantics = [#tpu.dimension_semantics<core_parallel>, #tpu.dimension_semantics<subcore_parallel>], iteration_bounds = array<i64: 2, 16>, scalar_prefetch = 0 : i64, scratch_operands = 8 : i64, tpu.core_type = #tpu.core_type<sc_vector_subcore>, window_params = [{transform_indices = #map}, {transform_indices = #map1}, {transform_indices = #map1}, {transform_indices = #map}, {transform_indices = #map1}]} {
    %mul3A = arith.constant 2 : i32
    %mul3A_0 = arith.muli %arg1, %mul3A : i32
    %add3A = arith.addi %mul3A_0, %arg0 : i32
    %mul3A_1 = arith.constant 632 : i32
    %mul3A_2 = arith.muli %arg1, %mul3A_1 : i32
    "tpu.region"() ({
      %run_scoped3A = tpu.sem_alloc : memref<!tpu.dma_semaphore, #tpu.memory_space<semaphore_mem>>
      %dma_start3A_46 = arith.constant 0 : i32
      %dma_start3A_47 = tpu.memref_slice %arg14[%mul3A_2, %dma_start3A_46] : memref<10112x64xbf16, #tpu.memory_space<vmem_shared>> -> memref<632x64xbf16, #tpu.memory_space<vmem_shared>>
      %dma_start3A_48 = arith.constant 0 : i32
      %dma_start3A_49 = tpu.memref_slice %arg5[%mul3A_2, %dma_start3A_48] : memref<10112x64xbf16, #tpu.memory_space<hbm>> -> memref<632x64xbf16, #tpu.memory_space<hbm>>
      tpu.enqueue_dma source(%dma_start3A_49 : memref<632x64xbf16, #tpu.memory_space<hbm>>) target(%dma_start3A_47 : memref<632x64xbf16, #tpu.memory_space<vmem_shared>>) target_semaphore(%run_scoped3A : memref<!tpu.dma_semaphore, #tpu.memory_space<semaphore_mem>>)
      %dma_wait3A_50 = arith.constant 0 : i32
      %dma_wait3A_51 = tpu.memref_slice %arg14[%mul3A_2, %dma_wait3A_50] : memref<10112x64xbf16, #tpu.memory_space<vmem_shared>> -> memref<632x64xbf16, #tpu.memory_space<vmem_shared>>
      %dma_wait3A_52 = arith.constant 0 : i32
      %dma_wait3A_53 = tpu.memref_slice %arg5[%mul3A_2, %dma_wait3A_52] : memref<10112x64xbf16, #tpu.memory_space<hbm>> -> memref<632x64xbf16, #tpu.memory_space<hbm>>
      tpu.wait_dma2 semaphore(%run_scoped3A : memref<!tpu.dma_semaphore, #tpu.memory_space<semaphore_mem>>) src(%dma_wait3A_53 : memref<632x64xbf16, #tpu.memory_space<hbm>>) dst(%dma_wait3A_51 : memref<632x64xbf16, #tpu.memory_space<vmem_shared>>)
      tpu.yield
    }) : () -> ()
    %dma_start3A = arith.constant 0 : i32
    %dma_start3A_3 = arith.constant 0 : i32
    %dma_start3A_4 = tpu.memref_slice %arg3[%add3A, %dma_start3A, %dma_start3A_3] : memref<32x79x128xi32, #tpu.memory_space<hbm>> -> memref<1x79x128xi32, #tpu.memory_space<hbm>>
    %dma_start3A_5 = tpu.memref_squeeze %dma_start3A_4 : memref<1x79x128xi32, #tpu.memory_space<hbm>> -> memref<79x128xi32, #tpu.memory_space<hbm>>
    %dma_start3A_6 = arith.constant 0 : i32
    %dma_start3A_7 = arith.constant 0 : i32
    %dma_start3A_8 = tpu.memref_slice %arg3[%add3A, %dma_start3A_6, %dma_start3A_7] : memref<32x79x128xi32, #tpu.memory_space<hbm>> -> memref<1x79x128xi32, #tpu.memory_space<hbm>>
    %dma_start3A_9 = tpu.memref_squeeze %dma_start3A_8 : memref<1x79x128xi32, #tpu.memory_space<hbm>> -> memref<79x128xi32, #tpu.memory_space<hbm>>
    tpu.enqueue_dma source(%dma_start3A_9 : memref<79x128xi32, #tpu.memory_space<hbm>>) target(%arg7 : memref<79x128xi32, #tpu.memory_space<vmem>>) target_semaphore(%arg13 : memref<!tpu.dma_semaphore, #tpu.memory_space<semaphore_mem>>)
    %dma_wait3A = arith.constant 0 : i32
    %dma_wait3A_10 = arith.constant 0 : i32
    %dma_wait3A_11 = tpu.memref_slice %arg3[%add3A, %dma_wait3A, %dma_wait3A_10] : memref<32x79x128xi32, #tpu.memory_space<hbm>> -> memref<1x79x128xi32, #tpu.memory_space<hbm>>
    %dma_wait3A_12 = tpu.memref_squeeze %dma_wait3A_11 : memref<1x79x128xi32, #tpu.memory_space<hbm>> -> memref<79x128xi32, #tpu.memory_space<hbm>>
    %dma_wait3A_13 = arith.constant 0 : i32
    %dma_wait3A_14 = arith.constant 0 : i32
    %dma_wait3A_15 = tpu.memref_slice %arg3[%add3A, %dma_wait3A_13, %dma_wait3A_14] : memref<32x79x128xi32, #tpu.memory_space<hbm>> -> memref<1x79x128xi32, #tpu.memory_space<hbm>>
    %dma_wait3A_16 = tpu.memref_squeeze %dma_wait3A_15 : memref<1x79x128xi32, #tpu.memory_space<hbm>> -> memref<79x128xi32, #tpu.memory_space<hbm>>
    tpu.wait_dma2 semaphore(%arg13 : memref<!tpu.dma_semaphore, #tpu.memory_space<semaphore_mem>>) src(%dma_wait3A_16 : memref<79x128xi32, #tpu.memory_space<hbm>>) dst(%arg7 : memref<79x128xi32, #tpu.memory_space<vmem>>)
    %dma_start3A_17 = arith.constant 0 : i32
    %dma_start3A_18 = arith.constant 0 : i32
    %dma_start3A_19 = tpu.memref_slice %arg4[%add3A, %dma_start3A_17, %dma_start3A_18] : memref<32x79x128xi32, #tpu.memory_space<hbm>> -> memref<1x79x128xi32, #tpu.memory_space<hbm>>
    %dma_start3A_20 = tpu.memref_squeeze %dma_start3A_19 : memref<1x79x128xi32, #tpu.memory_space<hbm>> -> memref<79x128xi32, #tpu.memory_space<hbm>>
    %dma_start3A_21 = arith.constant 0 : i32
    %dma_start3A_22 = arith.constant 0 : i32
    %dma_start3A_23 = tpu.memref_slice %arg4[%add3A, %dma_start3A_21, %dma_start3A_22] : memref<32x79x128xi32, #tpu.memory_space<hbm>> -> memref<1x79x128xi32, #tpu.memory_space<hbm>>
    %dma_start3A_24 = tpu.memref_squeeze %dma_start3A_23 : memref<1x79x128xi32, #tpu.memory_space<hbm>> -> memref<79x128xi32, #tpu.memory_space<hbm>>
    tpu.enqueue_dma source(%dma_start3A_24 : memref<79x128xi32, #tpu.memory_space<hbm>>) target(%arg8 : memref<79x128xi32, #tpu.memory_space<vmem>>) target_semaphore(%arg13 : memref<!tpu.dma_semaphore, #tpu.memory_space<semaphore_mem>>)
    %dma_wait3A_25 = arith.constant 0 : i32
    %dma_wait3A_26 = arith.constant 0 : i32
    %dma_wait3A_27 = tpu.memref_slice %arg4[%add3A, %dma_wait3A_25, %dma_wait3A_26] : memref<32x79x128xi32, #tpu.memory_space<hbm>> -> memref<1x79x128xi32, #tpu.memory_space<hbm>>
    %dma_wait3A_28 = tpu.memref_squeeze %dma_wait3A_27 : memref<1x79x128xi32, #tpu.memory_space<hbm>> -> memref<79x128xi32, #tpu.memory_space<hbm>>
    %dma_wait3A_29 = arith.constant 0 : i32
    %dma_wait3A_30 = arith.constant 0 : i32
    %dma_wait3A_31 = tpu.memref_slice %arg4[%add3A, %dma_wait3A_29, %dma_wait3A_30] : memref<32x79x128xi32, #tpu.memory_space<hbm>> -> memref<1x79x128xi32, #tpu.memory_space<hbm>>
    %dma_wait3A_32 = tpu.memref_squeeze %dma_wait3A_31 : memref<1x79x128xi32, #tpu.memory_space<hbm>> -> memref<79x128xi32, #tpu.memory_space<hbm>>
    tpu.wait_dma2 semaphore(%arg13 : memref<!tpu.dma_semaphore, #tpu.memory_space<semaphore_mem>>) src(%dma_wait3A_32 : memref<79x128xi32, #tpu.memory_space<hbm>>) dst(%arg8 : memref<79x128xi32, #tpu.memory_space<vmem>>)
    %barrier3A = arith.constant 0 : index
    tpu.barrier barrier_id(%barrier3A)
    %dma_start3A_33 = arith.constant 0 : i32
    %dma_start3A_34 = arith.constant 0 : i32
    %dma_start3A_35 = tpu.memref_slice %arg7[%dma_start3A_33, %dma_start3A_34] : memref<79x128xi32, #tpu.memory_space<vmem>> -> memref<1x128xi32, #tpu.memory_space<vmem>>
    %dma_start3A_36 = tpu.memref_squeeze %dma_start3A_35 : memref<1x128xi32, #tpu.memory_space<vmem>> -> memref<128xi32, #tpu.memory_space<vmem>>
    %dma_start3A_37 = arith.constant 0 : i32
    %dma_start3A_38 = arith.constant 0 : i32
    %dma_start3A_39 = tpu.memref_slice %arg2[%dma_start3A_37, %dma_start3A_38] : memref<10000x64xbf16, #tpu.memory_space<hbm>> -> memref<10000x64xbf16, #tpu.memory_space<hbm>>
    tpu.enqueue_indirect_dma source(%dma_start3A_39 : memref<10000x64xbf16, #tpu.memory_space<hbm>>) target(%arg9 : memref<128x64xbf16, #tpu.memory_space<vmem>>) offsets(%dma_start3A_36 : memref<128xi32, #tpu.memory_space<vmem>>) semaphore(%arg11 : memref<!tpu.dma_semaphore, #tpu.memory_space<semaphore_mem>>)
    %scan3A = arith.constant 0 : i32
    %scan3A_40 = arith.constant 0 : i32
    %scan3A_41 = arith.constant 79 : i32
    %scan3A_42 = arith.addi %scan3A_40, %scan3A_41 : i32
    %scan3A_43 = arith.constant 1 : i32
    scf.for %scan3A_46 = %scan3A_40 to %scan3A_42 step %scan3A_43  : i32 {
      %rem3A = arith.constant 2 : i32
      %rem3A_47 = arith.remsi %scan3A_46, %rem3A : i32
      %eq3A = arith.constant 0 : i32
      %eq3A_48 = arith.cmpi eq, %rem3A_47, %eq3A : i32
      %convert_element_type3A = arith.extui %eq3A_48 : i1 to i32
      %cond3A = arith.constant 0 : i32
      %cond3A_49 = arith.cmpi ne, %convert_element_type3A, %cond3A : i32
      scf.if %cond3A_49 {
        %dma_wait3A_57 = arith.constant 0 : i32
        %dma_wait3A_58 = tpu.memref_slice %arg7[%scan3A_46, %dma_wait3A_57] : memref<79x128xi32, #tpu.memory_space<vmem>> -> memref<1x128xi32, #tpu.memory_space<vmem>>
        %dma_wait3A_59 = tpu.memref_squeeze %dma_wait3A_58 : memref<1x128xi32, #tpu.memory_space<vmem>> -> memref<128xi32, #tpu.memory_space<vmem>>
        %dma_wait3A_60 = arith.constant 0 : i32
        %dma_wait3A_61 = arith.constant 0 : i32
        %dma_wait3A_62 = tpu.memref_slice %arg2[%dma_wait3A_60, %dma_wait3A_61] : memref<10000x64xbf16, #tpu.memory_space<hbm>> -> memref<10000x64xbf16, #tpu.memory_space<hbm>>
        tpu.wait_indirect_dma semaphore(%arg11 : memref<!tpu.dma_semaphore, #tpu.memory_space<semaphore_mem>>) src(%dma_wait3A_62 : memref<10000x64xbf16, #tpu.memory_space<hbm>>) dst(%arg9 : memref<128x64xbf16, #tpu.memory_space<vmem>>)
        %add3A_63 = arith.constant 1 : i32
        %add3A_64 = arith.addi %scan3A_46, %add3A_63 : i32
        %lt3A = arith.constant 79 : i32
        %lt3A_65 = arith.cmpi slt, %add3A_64, %lt3A : i32
        %convert_element_type3A_66 = arith.extui %lt3A_65 : i1 to i32
        %cond3A_67 = arith.constant 0 : i32
        %cond3A_68 = arith.cmpi ne, %convert_element_type3A_66, %cond3A_67 : i32
        scf.if %cond3A_68 {
          %add3A_69 = arith.constant 1 : i32
          %add3A_70 = arith.addi %scan3A_46, %add3A_69 : i32
          %dma_start3A_71 = arith.constant 0 : i32
          %dma_start3A_72 = tpu.memref_slice %arg7[%add3A_70, %dma_start3A_71] : memref<79x128xi32, #tpu.memory_space<vmem>> -> memref<1x128xi32, #tpu.memory_space<vmem>>
          %dma_start3A_73 = tpu.memref_squeeze %dma_start3A_72 : memref<1x128xi32, #tpu.memory_space<vmem>> -> memref<128xi32, #tpu.memory_space<vmem>>
          %dma_start3A_74 = arith.constant 0 : i32
          %dma_start3A_75 = arith.constant 0 : i32
          %dma_start3A_76 = tpu.memref_slice %arg2[%dma_start3A_74, %dma_start3A_75] : memref<10000x64xbf16, #tpu.memory_space<hbm>> -> memref<10000x64xbf16, #tpu.memory_space<hbm>>
          tpu.enqueue_indirect_dma source(%dma_start3A_76 : memref<10000x64xbf16, #tpu.memory_space<hbm>>) target(%arg10 : memref<128x64xbf16, #tpu.memory_space<vmem>>) offsets(%dma_start3A_73 : memref<128xi32, #tpu.memory_space<vmem>>) semaphore(%arg12 : memref<!tpu.dma_semaphore, #tpu.memory_space<semaphore_mem>>)
        } else {
        }
        "tpu.region"() ({
          %run_scoped3A = tpu.sem_alloc : memref<!tpu.dma_semaphore, #tpu.memory_space<semaphore_mem>>
          %dma_start3A_69 = arith.constant 0 : i32
          %dma_start3A_70 = tpu.memref_slice %arg8[%scan3A_46, %dma_start3A_69] : memref<79x128xi32, #tpu.memory_space<vmem>> -> memref<1x128xi32, #tpu.memory_space<vmem>>
          %dma_start3A_71 = tpu.memref_squeeze %dma_start3A_70 : memref<1x128xi32, #tpu.memory_space<vmem>> -> memref<128xi32, #tpu.memory_space<vmem>>
          %dma_start3A_72 = arith.constant 0 : i32
          %dma_start3A_73 = arith.constant 0 : i32
          %dma_start3A_74 = tpu.memref_slice %arg14[%dma_start3A_72, %dma_start3A_73] : memref<10112x64xbf16, #tpu.memory_space<vmem_shared>> -> memref<10112x64xbf16, #tpu.memory_space<vmem_shared>>
          tpu.enqueue_indirect_dma source(%arg9 : memref<128x64xbf16, #tpu.memory_space<vmem>>) target(%dma_start3A_74 : memref<10112x64xbf16, #tpu.memory_space<vmem_shared>>) offsets(%dma_start3A_71 : memref<128xi32, #tpu.memory_space<vmem>>) semaphore(%run_scoped3A : memref<!tpu.dma_semaphore, #tpu.memory_space<semaphore_mem>>) {add = true}
          %dma_wait3A_75 = arith.constant 0 : i32
          %dma_wait3A_76 = tpu.memref_slice %arg8[%scan3A_46, %dma_wait3A_75] : memref<79x128xi32, #tpu.memory_space<vmem>> -> memref<1x128xi32, #tpu.memory_space<vmem>>
          %dma_wait3A_77 = tpu.memref_squeeze %dma_wait3A_76 : memref<1x128xi32, #tpu.memory_space<vmem>> -> memref<128xi32, #tpu.memory_space<vmem>>
          %dma_wait3A_78 = arith.constant 0 : i32
          %dma_wait3A_79 = arith.constant 0 : i32
          %dma_wait3A_80 = tpu.memref_slice %arg14[%dma_wait3A_78, %dma_wait3A_79] : memref<10112x64xbf16, #tpu.memory_space<vmem_shared>> -> memref<10112x64xbf16, #tpu.memory_space<vmem_shared>>
          tpu.wait_indirect_dma semaphore(%run_scoped3A : memref<!tpu.dma_semaphore, #tpu.memory_space<semaphore_mem>>) src(%arg9 : memref<128x64xbf16, #tpu.memory_space<vmem>>) dst(%dma_wait3A_80 : memref<10112x64xbf16, #tpu.memory_space<vmem_shared>>)
          tpu.yield
        }) : () -> ()
      } else {
      }
      %rem3A_50 = arith.constant 2 : i32
      %rem3A_51 = arith.remsi %scan3A_46, %rem3A_50 : i32
      %eq3A_52 = arith.constant 1 : i32
      %eq3A_53 = arith.cmpi eq, %rem3A_51, %eq3A_52 : i32
      %convert_element_type3A_54 = arith.extui %eq3A_53 : i1 to i32
      %cond3A_55 = arith.constant 0 : i32
      %cond3A_56 = arith.cmpi ne, %convert_element_type3A_54, %cond3A_55 : i32
      scf.if %cond3A_56 {
        %dma_wait3A_57 = arith.constant 0 : i32
        %dma_wait3A_58 = tpu.memref_slice %arg7[%scan3A_46, %dma_wait3A_57] : memref<79x128xi32, #tpu.memory_space<vmem>> -> memref<1x128xi32, #tpu.memory_space<vmem>>
        %dma_wait3A_59 = tpu.memref_squeeze %dma_wait3A_58 : memref<1x128xi32, #tpu.memory_space<vmem>> -> memref<128xi32, #tpu.memory_space<vmem>>
        %dma_wait3A_60 = arith.constant 0 : i32
        %dma_wait3A_61 = arith.constant 0 : i32
        %dma_wait3A_62 = tpu.memref_slice %arg2[%dma_wait3A_60, %dma_wait3A_61] : memref<10000x64xbf16, #tpu.memory_space<hbm>> -> memref<10000x64xbf16, #tpu.memory_space<hbm>>
        tpu.wait_indirect_dma semaphore(%arg12 : memref<!tpu.dma_semaphore, #tpu.memory_space<semaphore_mem>>) src(%dma_wait3A_62 : memref<10000x64xbf16, #tpu.memory_space<hbm>>) dst(%arg10 : memref<128x64xbf16, #tpu.memory_space<vmem>>)
        %add3A_63 = arith.constant 1 : i32
        %add3A_64 = arith.addi %scan3A_46, %add3A_63 : i32
        %lt3A = arith.constant 79 : i32
        %lt3A_65 = arith.cmpi slt, %add3A_64, %lt3A : i32
        %convert_element_type3A_66 = arith.extui %lt3A_65 : i1 to i32
        %cond3A_67 = arith.constant 0 : i32
        %cond3A_68 = arith.cmpi ne, %convert_element_type3A_66, %cond3A_67 : i32
        scf.if %cond3A_68 {
          %add3A_69 = arith.constant 1 : i32
          %add3A_70 = arith.addi %scan3A_46, %add3A_69 : i32
          %dma_start3A_71 = arith.constant 0 : i32
          %dma_start3A_72 = tpu.memref_slice %arg7[%add3A_70, %dma_start3A_71] : memref<79x128xi32, #tpu.memory_space<vmem>> -> memref<1x128xi32, #tpu.memory_space<vmem>>
          %dma_start3A_73 = tpu.memref_squeeze %dma_start3A_72 : memref<1x128xi32, #tpu.memory_space<vmem>> -> memref<128xi32, #tpu.memory_space<vmem>>
          %dma_start3A_74 = arith.constant 0 : i32
          %dma_start3A_75 = arith.constant 0 : i32
          %dma_start3A_76 = tpu.memref_slice %arg2[%dma_start3A_74, %dma_start3A_75] : memref<10000x64xbf16, #tpu.memory_space<hbm>> -> memref<10000x64xbf16, #tpu.memory_space<hbm>>
          tpu.enqueue_indirect_dma source(%dma_start3A_76 : memref<10000x64xbf16, #tpu.memory_space<hbm>>) target(%arg9 : memref<128x64xbf16, #tpu.memory_space<vmem>>) offsets(%dma_start3A_73 : memref<128xi32, #tpu.memory_space<vmem>>) semaphore(%arg11 : memref<!tpu.dma_semaphore, #tpu.memory_space<semaphore_mem>>)
        } else {
        }
        "tpu.region"() ({
          %run_scoped3A = tpu.sem_alloc : memref<!tpu.dma_semaphore, #tpu.memory_space<semaphore_mem>>
          %dma_start3A_69 = arith.constant 0 : i32
          %dma_start3A_70 = tpu.memref_slice %arg8[%scan3A_46, %dma_start3A_69] : memref<79x128xi32, #tpu.memory_space<vmem>> -> memref<1x128xi32, #tpu.memory_space<vmem>>
          %dma_start3A_71 = tpu.memref_squeeze %dma_start3A_70 : memref<1x128xi32, #tpu.memory_space<vmem>> -> memref<128xi32, #tpu.memory_space<vmem>>
          %dma_start3A_72 = arith.constant 0 : i32
          %dma_start3A_73 = arith.constant 0 : i32
          %dma_start3A_74 = tpu.memref_slice %arg14[%dma_start3A_72, %dma_start3A_73] : memref<10112x64xbf16, #tpu.memory_space<vmem_shared>> -> memref<10112x64xbf16, #tpu.memory_space<vmem_shared>>
          tpu.enqueue_indirect_dma source(%arg10 : memref<128x64xbf16, #tpu.memory_space<vmem>>) target(%dma_start3A_74 : memref<10112x64xbf16, #tpu.memory_space<vmem_shared>>) offsets(%dma_start3A_71 : memref<128xi32, #tpu.memory_space<vmem>>) semaphore(%run_scoped3A : memref<!tpu.dma_semaphore, #tpu.memory_space<semaphore_mem>>) {add = true}
          %dma_wait3A_75 = arith.constant 0 : i32
          %dma_wait3A_76 = tpu.memref_slice %arg8[%scan3A_46, %dma_wait3A_75] : memref<79x128xi32, #tpu.memory_space<vmem>> -> memref<1x128xi32, #tpu.memory_space<vmem>>
          %dma_wait3A_77 = tpu.memref_squeeze %dma_wait3A_76 : memref<1x128xi32, #tpu.memory_space<vmem>> -> memref<128xi32, #tpu.memory_space<vmem>>
          %dma_wait3A_78 = arith.constant 0 : i32
          %dma_wait3A_79 = arith.constant 0 : i32
          %dma_wait3A_80 = tpu.memref_slice %arg14[%dma_wait3A_78, %dma_wait3A_79] : memref<10112x64xbf16, #tpu.memory_space<vmem_shared>> -> memref<10112x64xbf16, #tpu.memory_space<vmem_shared>>
          tpu.wait_indirect_dma semaphore(%run_scoped3A : memref<!tpu.dma_semaphore, #tpu.memory_space<semaphore_mem>>) src(%arg10 : memref<128x64xbf16, #tpu.memory_space<vmem>>) dst(%dma_wait3A_80 : memref<10112x64xbf16, #tpu.memory_space<vmem_shared>>)
          tpu.yield
        }) : () -> ()
      } else {
      }
    }
    %scan3A_44 = arith.constant 79 : i32
    %barrier3A_45 = arith.constant 0 : index
    tpu.barrier barrier_id(%barrier3A_45)
    "tpu.region"() ({
      %run_scoped3A = tpu.sem_alloc : memref<!tpu.dma_semaphore, #tpu.memory_space<semaphore_mem>>
      %dma_start3A_46 = arith.constant 0 : i32
      %dma_start3A_47 = tpu.memref_slice %arg6[%arg0, %mul3A_2, %dma_start3A_46] : memref<2x10112x64xbf16, #tpu.memory_space<hbm>> -> memref<1x632x64xbf16, #tpu.memory_space<hbm>>
      %dma_start3A_48 = tpu.memref_squeeze %dma_start3A_47 : memref<1x632x64xbf16, #tpu.memory_space<hbm>> -> memref<632x64xbf16, #tpu.memory_space<hbm>>
      %dma_start3A_49 = arith.constant 0 : i32
      %dma_start3A_50 = tpu.memref_slice %arg14[%mul3A_2, %dma_start3A_49] : memref<10112x64xbf16, #tpu.memory_space<vmem_shared>> -> memref<632x64xbf16, #tpu.memory_space<vmem_shared>>
      tpu.enqueue_dma source(%dma_start3A_50 : memref<632x64xbf16, #tpu.memory_space<vmem_shared>>) target(%dma_start3A_48 : memref<632x64xbf16, #tpu.memory_space<hbm>>) target_semaphore(%run_scoped3A : memref<!tpu.dma_semaphore, #tpu.memory_space<semaphore_mem>>)
      %dma_wait3A_51 = arith.constant 0 : i32
      %dma_wait3A_52 = tpu.memref_slice %arg6[%arg0, %mul3A_2, %dma_wait3A_51] : memref<2x10112x64xbf16, #tpu.memory_space<hbm>> -> memref<1x632x64xbf16, #tpu.memory_space<hbm>>
      %dma_wait3A_53 = tpu.memref_squeeze %dma_wait3A_52 : memref<1x632x64xbf16, #tpu.memory_space<hbm>> -> memref<632x64xbf16, #tpu.memory_space<hbm>>
      %dma_wait3A_54 = arith.constant 0 : i32
      %dma_wait3A_55 = tpu.memref_slice %arg14[%mul3A_2, %dma_wait3A_54] : memref<10112x64xbf16, #tpu.memory_space<vmem_shared>> -> memref<632x64xbf16, #tpu.memory_space<vmem_shared>>
      tpu.wait_dma2 semaphore(%run_scoped3A : memref<!tpu.dma_semaphore, #tpu.memory_space<semaphore_mem>>) src(%dma_wait3A_55 : memref<632x64xbf16, #tpu.memory_space<vmem_shared>>) dst(%dma_wait3A_53 : memref<632x64xbf16, #tpu.memory_space<hbm>>)
      tpu.yield
    }) : () -> ()
    return
  }
}

#map = affine_map<(d0, d1) -> (0, 0, 0)>
#map1 = affine_map<(d0, d1) -> (0, 0)>
module attributes {stable_mosaic.version = 14 : i64} {
  func.func @_deg_body(%arg0: i32, %arg1: i32, %arg2: memref<32x79x128xi32, #tpu.memory_space<hbm>>, %arg3: memref<128x16xf32, #tpu.memory_space<hbm>>, %arg4: memref<10112x16xf32, #tpu.memory_space<hbm>>, %arg5: memref<2x10112x16xf32, #tpu.memory_space<hbm>>, %arg6: memref<79x128xi32, #tpu.memory_space<vmem>>, %arg7: memref<128x16xf32, #tpu.memory_space<vmem>>, %arg8: memref<!tpu.dma_semaphore, #tpu.memory_space<semaphore_mem>>, %arg9: memref<10112x16xf32, #tpu.memory_space<vmem_shared>>) attributes {dimension_semantics = [#tpu.dimension_semantics<core_parallel>, #tpu.dimension_semantics<subcore_parallel>], iteration_bounds = array<i64: 2, 16>, scalar_prefetch = 0 : i64, scratch_operands = 4 : i64, tpu.core_type = #tpu.core_type<sc_vector_subcore>, window_params = [{transform_indices = #map}, {transform_indices = #map1}, {transform_indices = #map1}, {transform_indices = #map}]} {
    %mul3A = arith.constant 2 : i32
    %mul3A_0 = arith.muli %arg1, %mul3A : i32
    %add3A = arith.addi %mul3A_0, %arg0 : i32
    %mul3A_1 = arith.constant 632 : i32
    %mul3A_2 = arith.muli %arg1, %mul3A_1 : i32
    "tpu.region"() ({
      %run_scoped3A = tpu.sem_alloc : memref<!tpu.dma_semaphore, #tpu.memory_space<semaphore_mem>>
      %dma_start3A_23 = arith.constant 0 : i32
      %dma_start3A_24 = tpu.memref_slice %arg9[%mul3A_2, %dma_start3A_23] : memref<10112x16xf32, #tpu.memory_space<vmem_shared>> -> memref<632x16xf32, #tpu.memory_space<vmem_shared>>
      %dma_start3A_25 = arith.constant 0 : i32
      %dma_start3A_26 = tpu.memref_slice %arg4[%mul3A_2, %dma_start3A_25] : memref<10112x16xf32, #tpu.memory_space<hbm>> -> memref<632x16xf32, #tpu.memory_space<hbm>>
      tpu.enqueue_dma source(%dma_start3A_26 : memref<632x16xf32, #tpu.memory_space<hbm>>) target(%dma_start3A_24 : memref<632x16xf32, #tpu.memory_space<vmem_shared>>) target_semaphore(%run_scoped3A : memref<!tpu.dma_semaphore, #tpu.memory_space<semaphore_mem>>)
      %dma_wait3A_27 = arith.constant 0 : i32
      %dma_wait3A_28 = tpu.memref_slice %arg9[%mul3A_2, %dma_wait3A_27] : memref<10112x16xf32, #tpu.memory_space<vmem_shared>> -> memref<632x16xf32, #tpu.memory_space<vmem_shared>>
      %dma_wait3A_29 = arith.constant 0 : i32
      %dma_wait3A_30 = tpu.memref_slice %arg4[%mul3A_2, %dma_wait3A_29] : memref<10112x16xf32, #tpu.memory_space<hbm>> -> memref<632x16xf32, #tpu.memory_space<hbm>>
      tpu.wait_dma2 semaphore(%run_scoped3A : memref<!tpu.dma_semaphore, #tpu.memory_space<semaphore_mem>>) src(%dma_wait3A_30 : memref<632x16xf32, #tpu.memory_space<hbm>>) dst(%dma_wait3A_28 : memref<632x16xf32, #tpu.memory_space<vmem_shared>>)
      tpu.yield
    }) : () -> ()
    "tpu.region"() ({
      %run_scoped3A = tpu.sem_alloc : memref<!tpu.dma_semaphore, #tpu.memory_space<semaphore_mem>>
      tpu.enqueue_dma source(%arg3 : memref<128x16xf32, #tpu.memory_space<hbm>>) target(%arg7 : memref<128x16xf32, #tpu.memory_space<vmem>>) target_semaphore(%run_scoped3A : memref<!tpu.dma_semaphore, #tpu.memory_space<semaphore_mem>>)
      tpu.wait_dma2 semaphore(%run_scoped3A : memref<!tpu.dma_semaphore, #tpu.memory_space<semaphore_mem>>) src(%arg3 : memref<128x16xf32, #tpu.memory_space<hbm>>) dst(%arg7 : memref<128x16xf32, #tpu.memory_space<vmem>>)
      tpu.yield
    }) : () -> ()
    %dma_start3A = arith.constant 0 : i32
    %dma_start3A_3 = arith.constant 0 : i32
    %dma_start3A_4 = tpu.memref_slice %arg2[%add3A, %dma_start3A, %dma_start3A_3] : memref<32x79x128xi32, #tpu.memory_space<hbm>> -> memref<1x79x128xi32, #tpu.memory_space<hbm>>
    %dma_start3A_5 = tpu.memref_squeeze %dma_start3A_4 : memref<1x79x128xi32, #tpu.memory_space<hbm>> -> memref<79x128xi32, #tpu.memory_space<hbm>>
    %dma_start3A_6 = arith.constant 0 : i32
    %dma_start3A_7 = arith.constant 0 : i32
    %dma_start3A_8 = tpu.memref_slice %arg2[%add3A, %dma_start3A_6, %dma_start3A_7] : memref<32x79x128xi32, #tpu.memory_space<hbm>> -> memref<1x79x128xi32, #tpu.memory_space<hbm>>
    %dma_start3A_9 = tpu.memref_squeeze %dma_start3A_8 : memref<1x79x128xi32, #tpu.memory_space<hbm>> -> memref<79x128xi32, #tpu.memory_space<hbm>>
    tpu.enqueue_dma source(%dma_start3A_9 : memref<79x128xi32, #tpu.memory_space<hbm>>) target(%arg6 : memref<79x128xi32, #tpu.memory_space<vmem>>) target_semaphore(%arg8 : memref<!tpu.dma_semaphore, #tpu.memory_space<semaphore_mem>>)
    %dma_wait3A = arith.constant 0 : i32
    %dma_wait3A_10 = arith.constant 0 : i32
    %dma_wait3A_11 = tpu.memref_slice %arg2[%add3A, %dma_wait3A, %dma_wait3A_10] : memref<32x79x128xi32, #tpu.memory_space<hbm>> -> memref<1x79x128xi32, #tpu.memory_space<hbm>>
    %dma_wait3A_12 = tpu.memref_squeeze %dma_wait3A_11 : memref<1x79x128xi32, #tpu.memory_space<hbm>> -> memref<79x128xi32, #tpu.memory_space<hbm>>
    %dma_wait3A_13 = arith.constant 0 : i32
    %dma_wait3A_14 = arith.constant 0 : i32
    %dma_wait3A_15 = tpu.memref_slice %arg2[%add3A, %dma_wait3A_13, %dma_wait3A_14] : memref<32x79x128xi32, #tpu.memory_space<hbm>> -> memref<1x79x128xi32, #tpu.memory_space<hbm>>
    %dma_wait3A_16 = tpu.memref_squeeze %dma_wait3A_15 : memref<1x79x128xi32, #tpu.memory_space<hbm>> -> memref<79x128xi32, #tpu.memory_space<hbm>>
    tpu.wait_dma2 semaphore(%arg8 : memref<!tpu.dma_semaphore, #tpu.memory_space<semaphore_mem>>) src(%dma_wait3A_16 : memref<79x128xi32, #tpu.memory_space<hbm>>) dst(%arg6 : memref<79x128xi32, #tpu.memory_space<vmem>>)
    %barrier3A = arith.constant 0 : index
    tpu.barrier barrier_id(%barrier3A)
    %scan3A = arith.constant 0 : i32
    %scan3A_17 = arith.constant 0 : i32
    %scan3A_18 = arith.constant 79 : i32
    %scan3A_19 = arith.addi %scan3A_17, %scan3A_18 : i32
    %scan3A_20 = arith.constant 1 : i32
    scf.for %scan3A_23 = %scan3A_17 to %scan3A_19 step %scan3A_20  : i32 {
      "tpu.region"() ({
        %run_scoped3A = tpu.sem_alloc : memref<!tpu.dma_semaphore, #tpu.memory_space<semaphore_mem>>
        %dma_start3A_24 = arith.constant 0 : i32
        %dma_start3A_25 = tpu.memref_slice %arg6[%scan3A_23, %dma_start3A_24] : memref<79x128xi32, #tpu.memory_space<vmem>> -> memref<1x128xi32, #tpu.memory_space<vmem>>
        %dma_start3A_26 = tpu.memref_squeeze %dma_start3A_25 : memref<1x128xi32, #tpu.memory_space<vmem>> -> memref<128xi32, #tpu.memory_space<vmem>>
        %dma_start3A_27 = arith.constant 0 : i32
        %dma_start3A_28 = arith.constant 0 : i32
        %dma_start3A_29 = tpu.memref_slice %arg9[%dma_start3A_27, %dma_start3A_28] : memref<10112x16xf32, #tpu.memory_space<vmem_shared>> -> memref<10112x16xf32, #tpu.memory_space<vmem_shared>>
        tpu.enqueue_indirect_dma source(%arg7 : memref<128x16xf32, #tpu.memory_space<vmem>>) target(%dma_start3A_29 : memref<10112x16xf32, #tpu.memory_space<vmem_shared>>) offsets(%dma_start3A_26 : memref<128xi32, #tpu.memory_space<vmem>>) semaphore(%run_scoped3A : memref<!tpu.dma_semaphore, #tpu.memory_space<semaphore_mem>>) {add = true}
        %dma_wait3A_30 = arith.constant 0 : i32
        %dma_wait3A_31 = tpu.memref_slice %arg6[%scan3A_23, %dma_wait3A_30] : memref<79x128xi32, #tpu.memory_space<vmem>> -> memref<1x128xi32, #tpu.memory_space<vmem>>
        %dma_wait3A_32 = tpu.memref_squeeze %dma_wait3A_31 : memref<1x128xi32, #tpu.memory_space<vmem>> -> memref<128xi32, #tpu.memory_space<vmem>>
        %dma_wait3A_33 = arith.constant 0 : i32
        %dma_wait3A_34 = arith.constant 0 : i32
        %dma_wait3A_35 = tpu.memref_slice %arg9[%dma_wait3A_33, %dma_wait3A_34] : memref<10112x16xf32, #tpu.memory_space<vmem_shared>> -> memref<10112x16xf32, #tpu.memory_space<vmem_shared>>
        tpu.wait_indirect_dma semaphore(%run_scoped3A : memref<!tpu.dma_semaphore, #tpu.memory_space<semaphore_mem>>) src(%arg7 : memref<128x16xf32, #tpu.memory_space<vmem>>) dst(%dma_wait3A_35 : memref<10112x16xf32, #tpu.memory_space<vmem_shared>>)
        tpu.yield
      }) : () -> ()
    }
    %scan3A_21 = arith.constant 79 : i32
    %barrier3A_22 = arith.constant 0 : index
    tpu.barrier barrier_id(%barrier3A_22)
    "tpu.region"() ({
      %run_scoped3A = tpu.sem_alloc : memref<!tpu.dma_semaphore, #tpu.memory_space<semaphore_mem>>
      %dma_start3A_23 = arith.constant 0 : i32
      %dma_start3A_24 = tpu.memref_slice %arg5[%arg0, %mul3A_2, %dma_start3A_23] : memref<2x10112x16xf32, #tpu.memory_space<hbm>> -> memref<1x632x16xf32, #tpu.memory_space<hbm>>
      %dma_start3A_25 = tpu.memref_squeeze %dma_start3A_24 : memref<1x632x16xf32, #tpu.memory_space<hbm>> -> memref<632x16xf32, #tpu.memory_space<hbm>>
      %dma_start3A_26 = arith.constant 0 : i32
      %dma_start3A_27 = tpu.memref_slice %arg9[%mul3A_2, %dma_start3A_26] : memref<10112x16xf32, #tpu.memory_space<vmem_shared>> -> memref<632x16xf32, #tpu.memory_space<vmem_shared>>
      tpu.enqueue_dma source(%dma_start3A_27 : memref<632x16xf32, #tpu.memory_space<vmem_shared>>) target(%dma_start3A_25 : memref<632x16xf32, #tpu.memory_space<hbm>>) target_semaphore(%run_scoped3A : memref<!tpu.dma_semaphore, #tpu.memory_space<semaphore_mem>>)
      %dma_wait3A_28 = arith.constant 0 : i32
      %dma_wait3A_29 = tpu.memref_slice %arg5[%arg0, %mul3A_2, %dma_wait3A_28] : memref<2x10112x16xf32, #tpu.memory_space<hbm>> -> memref<1x632x16xf32, #tpu.memory_space<hbm>>
      %dma_wait3A_30 = tpu.memref_squeeze %dma_wait3A_29 : memref<1x632x16xf32, #tpu.memory_space<hbm>> -> memref<632x16xf32, #tpu.memory_space<hbm>>
      %dma_wait3A_31 = arith.constant 0 : i32
      %dma_wait3A_32 = tpu.memref_slice %arg9[%mul3A_2, %dma_wait3A_31] : memref<10112x16xf32, #tpu.memory_space<vmem_shared>> -> memref<632x16xf32, #tpu.memory_space<vmem_shared>>
      tpu.wait_dma2 semaphore(%run_scoped3A : memref<!tpu.dma_semaphore, #tpu.memory_space<semaphore_mem>>) src(%dma_wait3A_32 : memref<632x16xf32, #tpu.memory_space<vmem_shared>>) dst(%dma_wait3A_30 : memref<632x16xf32, #tpu.memory_space<hbm>>)
      tpu.yield
    }) : () -> ()
    return
  }
}

#map = affine_map<(d0, d1) -> (0, 0)>
#map1 = affine_map<(d0, d1) -> (0, 0, 0)>
module attributes {stable_mosaic.version = 14 : i64} {
  func.func @_edge_body(%arg0: i32, %arg1: i32, %arg2: memref<10000x64xbf16, #tpu.memory_space<hbm>>, %arg3: memref<32x79x128xi32, #tpu.memory_space<hbm>>, %arg4: memref<32x79x128xi32, #tpu.memory_space<hbm>>, %arg5: memref<10112x64xbf16, #tpu.memory_space<hbm>>, %arg6: memref<2x10112x64xbf16, #tpu.memory_space<hbm>>, %arg7: memref<79x128xi32, #tpu.memory_space<vmem>>, %arg8: memref<79x128xi32, #tpu.memory_space<vmem>>, %arg9: memref<128x64xbf16, #tpu.memory_space<vmem>>, %arg10: memref<128x64xbf16, #tpu.memory_space<vmem>>, %arg11: memref<!tpu.dma_semaphore, #tpu.memory_space<semaphore_mem>>, %arg12: memref<!tpu.dma_semaphore, #tpu.memory_space<semaphore_mem>>, %arg13: memref<!tpu.dma_semaphore, #tpu.memory_space<semaphore_mem>>, %arg14: memref<10112x64xbf16, #tpu.memory_space<vmem_shared>>) attributes {dimension_semantics = [#tpu.dimension_semantics<core_parallel>, #tpu.dimension_semantics<subcore_parallel>], iteration_bounds = array<i64: 2, 16>, scalar_prefetch = 0 : i64, scratch_operands = 8 : i64, tpu.core_type = #tpu.core_type<sc_vector_subcore>, window_params = [{transform_indices = #map}, {transform_indices = #map1}, {transform_indices = #map1}, {transform_indices = #map}, {transform_indices = #map1}]} {
    %mul3A = arith.constant 2 : i32
    %mul3A_0 = arith.muli %arg1, %mul3A : i32
    %add3A = arith.addi %mul3A_0, %arg0 : i32
    %mul3A_1 = arith.constant 632 : i32
    %mul3A_2 = arith.muli %arg1, %mul3A_1 : i32
    "tpu.region"() ({
      %run_scoped3A = tpu.sem_alloc : memref<!tpu.dma_semaphore, #tpu.memory_space<semaphore_mem>>
      %dma_start3A_46 = arith.constant 0 : i32
      %dma_start3A_47 = tpu.memref_slice %arg14[%mul3A_2, %dma_start3A_46] : memref<10112x64xbf16, #tpu.memory_space<vmem_shared>> -> memref<632x64xbf16, #tpu.memory_space<vmem_shared>>
      %dma_start3A_48 = arith.constant 0 : i32
      %dma_start3A_49 = tpu.memref_slice %arg5[%mul3A_2, %dma_start3A_48] : memref<10112x64xbf16, #tpu.memory_space<hbm>> -> memref<632x64xbf16, #tpu.memory_space<hbm>>
      tpu.enqueue_dma source(%dma_start3A_49 : memref<632x64xbf16, #tpu.memory_space<hbm>>) target(%dma_start3A_47 : memref<632x64xbf16, #tpu.memory_space<vmem_shared>>) target_semaphore(%run_scoped3A : memref<!tpu.dma_semaphore, #tpu.memory_space<semaphore_mem>>)
      %dma_wait3A_50 = arith.constant 0 : i32
      %dma_wait3A_51 = tpu.memref_slice %arg14[%mul3A_2, %dma_wait3A_50] : memref<10112x64xbf16, #tpu.memory_space<vmem_shared>> -> memref<632x64xbf16, #tpu.memory_space<vmem_shared>>
      %dma_wait3A_52 = arith.constant 0 : i32
      %dma_wait3A_53 = tpu.memref_slice %arg5[%mul3A_2, %dma_wait3A_52] : memref<10112x64xbf16, #tpu.memory_space<hbm>> -> memref<632x64xbf16, #tpu.memory_space<hbm>>
      tpu.wait_dma2 semaphore(%run_scoped3A : memref<!tpu.dma_semaphore, #tpu.memory_space<semaphore_mem>>) src(%dma_wait3A_53 : memref<632x64xbf16, #tpu.memory_space<hbm>>) dst(%dma_wait3A_51 : memref<632x64xbf16, #tpu.memory_space<vmem_shared>>)
      tpu.yield
    }) : () -> ()
    %dma_start3A = arith.constant 0 : i32
    %dma_start3A_3 = arith.constant 0 : i32
    %dma_start3A_4 = tpu.memref_slice %arg3[%add3A, %dma_start3A, %dma_start3A_3] : memref<32x79x128xi32, #tpu.memory_space<hbm>> -> memref<1x79x128xi32, #tpu.memory_space<hbm>>
    %dma_start3A_5 = tpu.memref_squeeze %dma_start3A_4 : memref<1x79x128xi32, #tpu.memory_space<hbm>> -> memref<79x128xi32, #tpu.memory_space<hbm>>
    %dma_start3A_6 = arith.constant 0 : i32
    %dma_start3A_7 = arith.constant 0 : i32
    %dma_start3A_8 = tpu.memref_slice %arg3[%add3A, %dma_start3A_6, %dma_start3A_7] : memref<32x79x128xi32, #tpu.memory_space<hbm>> -> memref<1x79x128xi32, #tpu.memory_space<hbm>>
    %dma_start3A_9 = tpu.memref_squeeze %dma_start3A_8 : memref<1x79x128xi32, #tpu.memory_space<hbm>> -> memref<79x128xi32, #tpu.memory_space<hbm>>
    tpu.enqueue_dma source(%dma_start3A_9 : memref<79x128xi32, #tpu.memory_space<hbm>>) target(%arg7 : memref<79x128xi32, #tpu.memory_space<vmem>>) target_semaphore(%arg13 : memref<!tpu.dma_semaphore, #tpu.memory_space<semaphore_mem>>)
    %dma_wait3A = arith.constant 0 : i32
    %dma_wait3A_10 = arith.constant 0 : i32
    %dma_wait3A_11 = tpu.memref_slice %arg3[%add3A, %dma_wait3A, %dma_wait3A_10] : memref<32x79x128xi32, #tpu.memory_space<hbm>> -> memref<1x79x128xi32, #tpu.memory_space<hbm>>
    %dma_wait3A_12 = tpu.memref_squeeze %dma_wait3A_11 : memref<1x79x128xi32, #tpu.memory_space<hbm>> -> memref<79x128xi32, #tpu.memory_space<hbm>>
    %dma_wait3A_13 = arith.constant 0 : i32
    %dma_wait3A_14 = arith.constant 0 : i32
    %dma_wait3A_15 = tpu.memref_slice %arg3[%add3A, %dma_wait3A_13, %dma_wait3A_14] : memref<32x79x128xi32, #tpu.memory_space<hbm>> -> memref<1x79x128xi32, #tpu.memory_space<hbm>>
    %dma_wait3A_16 = tpu.memref_squeeze %dma_wait3A_15 : memref<1x79x128xi32, #tpu.memory_space<hbm>> -> memref<79x128xi32, #tpu.memory_space<hbm>>
    tpu.wait_dma2 semaphore(%arg13 : memref<!tpu.dma_semaphore, #tpu.memory_space<semaphore_mem>>) src(%dma_wait3A_16 : memref<79x128xi32, #tpu.memory_space<hbm>>) dst(%arg7 : memref<79x128xi32, #tpu.memory_space<vmem>>)
    %dma_start3A_17 = arith.constant 0 : i32
    %dma_start3A_18 = arith.constant 0 : i32
    %dma_start3A_19 = tpu.memref_slice %arg4[%add3A, %dma_start3A_17, %dma_start3A_18] : memref<32x79x128xi32, #tpu.memory_space<hbm>> -> memref<1x79x128xi32, #tpu.memory_space<hbm>>
    %dma_start3A_20 = tpu.memref_squeeze %dma_start3A_19 : memref<1x79x128xi32, #tpu.memory_space<hbm>> -> memref<79x128xi32, #tpu.memory_space<hbm>>
    %dma_start3A_21 = arith.constant 0 : i32
    %dma_start3A_22 = arith.constant 0 : i32
    %dma_start3A_23 = tpu.memref_slice %arg4[%add3A, %dma_start3A_21, %dma_start3A_22] : memref<32x79x128xi32, #tpu.memory_space<hbm>> -> memref<1x79x128xi32, #tpu.memory_space<hbm>>
    %dma_start3A_24 = tpu.memref_squeeze %dma_start3A_23 : memref<1x79x128xi32, #tpu.memory_space<hbm>> -> memref<79x128xi32, #tpu.memory_space<hbm>>
    tpu.enqueue_dma source(%dma_start3A_24 : memref<79x128xi32, #tpu.memory_space<hbm>>) target(%arg8 : memref<79x128xi32, #tpu.memory_space<vmem>>) target_semaphore(%arg13 : memref<!tpu.dma_semaphore, #tpu.memory_space<semaphore_mem>>)
    %dma_wait3A_25 = arith.constant 0 : i32
    %dma_wait3A_26 = arith.constant 0 : i32
    %dma_wait3A_27 = tpu.memref_slice %arg4[%add3A, %dma_wait3A_25, %dma_wait3A_26] : memref<32x79x128xi32, #tpu.memory_space<hbm>> -> memref<1x79x128xi32, #tpu.memory_space<hbm>>
    %dma_wait3A_28 = tpu.memref_squeeze %dma_wait3A_27 : memref<1x79x128xi32, #tpu.memory_space<hbm>> -> memref<79x128xi32, #tpu.memory_space<hbm>>
    %dma_wait3A_29 = arith.constant 0 : i32
    %dma_wait3A_30 = arith.constant 0 : i32
    %dma_wait3A_31 = tpu.memref_slice %arg4[%add3A, %dma_wait3A_29, %dma_wait3A_30] : memref<32x79x128xi32, #tpu.memory_space<hbm>> -> memref<1x79x128xi32, #tpu.memory_space<hbm>>
    %dma_wait3A_32 = tpu.memref_squeeze %dma_wait3A_31 : memref<1x79x128xi32, #tpu.memory_space<hbm>> -> memref<79x128xi32, #tpu.memory_space<hbm>>
    tpu.wait_dma2 semaphore(%arg13 : memref<!tpu.dma_semaphore, #tpu.memory_space<semaphore_mem>>) src(%dma_wait3A_32 : memref<79x128xi32, #tpu.memory_space<hbm>>) dst(%arg8 : memref<79x128xi32, #tpu.memory_space<vmem>>)
    %barrier3A = arith.constant 0 : index
    tpu.barrier barrier_id(%barrier3A)
    %dma_start3A_33 = arith.constant 0 : i32
    %dma_start3A_34 = arith.constant 0 : i32
    %dma_start3A_35 = tpu.memref_slice %arg7[%dma_start3A_33, %dma_start3A_34] : memref<79x128xi32, #tpu.memory_space<vmem>> -> memref<1x128xi32, #tpu.memory_space<vmem>>
    %dma_start3A_36 = tpu.memref_squeeze %dma_start3A_35 : memref<1x128xi32, #tpu.memory_space<vmem>> -> memref<128xi32, #tpu.memory_space<vmem>>
    %dma_start3A_37 = arith.constant 0 : i32
    %dma_start3A_38 = arith.constant 0 : i32
    %dma_start3A_39 = tpu.memref_slice %arg2[%dma_start3A_37, %dma_start3A_38] : memref<10000x64xbf16, #tpu.memory_space<hbm>> -> memref<10000x64xbf16, #tpu.memory_space<hbm>>
    tpu.enqueue_indirect_dma source(%dma_start3A_39 : memref<10000x64xbf16, #tpu.memory_space<hbm>>) target(%arg9 : memref<128x64xbf16, #tpu.memory_space<vmem>>) offsets(%dma_start3A_36 : memref<128xi32, #tpu.memory_space<vmem>>) semaphore(%arg11 : memref<!tpu.dma_semaphore, #tpu.memory_space<semaphore_mem>>)
    %scan3A = arith.constant 0 : i32
    %scan3A_40 = arith.constant 0 : i32
    %scan3A_41 = arith.constant 79 : i32
    %scan3A_42 = arith.addi %scan3A_40, %scan3A_41 : i32
    %scan3A_43 = arith.constant 1 : i32
    scf.for %scan3A_46 = %scan3A_40 to %scan3A_42 step %scan3A_43  : i32 {
      %rem3A = arith.constant 2 : i32
      %rem3A_47 = arith.remsi %scan3A_46, %rem3A : i32
      %eq3A = arith.constant 0 : i32
      %eq3A_48 = arith.cmpi eq, %rem3A_47, %eq3A : i32
      %convert_element_type3A = arith.extui %eq3A_48 : i1 to i32
      %cond3A = arith.constant 0 : i32
      %cond3A_49 = arith.cmpi ne, %convert_element_type3A, %cond3A : i32
      scf.if %cond3A_49 {
        %dma_wait3A_57 = arith.constant 0 : i32
        %dma_wait3A_58 = tpu.memref_slice %arg7[%scan3A_46, %dma_wait3A_57] : memref<79x128xi32, #tpu.memory_space<vmem>> -> memref<1x128xi32, #tpu.memory_space<vmem>>
        %dma_wait3A_59 = tpu.memref_squeeze %dma_wait3A_58 : memref<1x128xi32, #tpu.memory_space<vmem>> -> memref<128xi32, #tpu.memory_space<vmem>>
        %dma_wait3A_60 = arith.constant 0 : i32
        %dma_wait3A_61 = arith.constant 0 : i32
        %dma_wait3A_62 = tpu.memref_slice %arg2[%dma_wait3A_60, %dma_wait3A_61] : memref<10000x64xbf16, #tpu.memory_space<hbm>> -> memref<10000x64xbf16, #tpu.memory_space<hbm>>
        tpu.wait_indirect_dma semaphore(%arg11 : memref<!tpu.dma_semaphore, #tpu.memory_space<semaphore_mem>>) src(%dma_wait3A_62 : memref<10000x64xbf16, #tpu.memory_space<hbm>>) dst(%arg9 : memref<128x64xbf16, #tpu.memory_space<vmem>>)
        %add3A_63 = arith.constant 1 : i32
        %add3A_64 = arith.addi %scan3A_46, %add3A_63 : i32
        %lt3A = arith.constant 79 : i32
        %lt3A_65 = arith.cmpi slt, %add3A_64, %lt3A : i32
        %convert_element_type3A_66 = arith.extui %lt3A_65 : i1 to i32
        %cond3A_67 = arith.constant 0 : i32
        %cond3A_68 = arith.cmpi ne, %convert_element_type3A_66, %cond3A_67 : i32
        scf.if %cond3A_68 {
          %add3A_69 = arith.constant 1 : i32
          %add3A_70 = arith.addi %scan3A_46, %add3A_69 : i32
          %dma_start3A_71 = arith.constant 0 : i32
          %dma_start3A_72 = tpu.memref_slice %arg7[%add3A_70, %dma_start3A_71] : memref<79x128xi32, #tpu.memory_space<vmem>> -> memref<1x128xi32, #tpu.memory_space<vmem>>
          %dma_start3A_73 = tpu.memref_squeeze %dma_start3A_72 : memref<1x128xi32, #tpu.memory_space<vmem>> -> memref<128xi32, #tpu.memory_space<vmem>>
          %dma_start3A_74 = arith.constant 0 : i32
          %dma_start3A_75 = arith.constant 0 : i32
          %dma_start3A_76 = tpu.memref_slice %arg2[%dma_start3A_74, %dma_start3A_75] : memref<10000x64xbf16, #tpu.memory_space<hbm>> -> memref<10000x64xbf16, #tpu.memory_space<hbm>>
          tpu.enqueue_indirect_dma source(%dma_start3A_76 : memref<10000x64xbf16, #tpu.memory_space<hbm>>) target(%arg10 : memref<128x64xbf16, #tpu.memory_space<vmem>>) offsets(%dma_start3A_73 : memref<128xi32, #tpu.memory_space<vmem>>) semaphore(%arg12 : memref<!tpu.dma_semaphore, #tpu.memory_space<semaphore_mem>>)
        } else {
        }
        "tpu.region"() ({
          %run_scoped3A = tpu.sem_alloc : memref<!tpu.dma_semaphore, #tpu.memory_space<semaphore_mem>>
          %dma_start3A_69 = arith.constant 0 : i32
          %dma_start3A_70 = tpu.memref_slice %arg8[%scan3A_46, %dma_start3A_69] : memref<79x128xi32, #tpu.memory_space<vmem>> -> memref<1x128xi32, #tpu.memory_space<vmem>>
          %dma_start3A_71 = tpu.memref_squeeze %dma_start3A_70 : memref<1x128xi32, #tpu.memory_space<vmem>> -> memref<128xi32, #tpu.memory_space<vmem>>
          %dma_start3A_72 = arith.constant 0 : i32
          %dma_start3A_73 = arith.constant 0 : i32
          %dma_start3A_74 = tpu.memref_slice %arg14[%dma_start3A_72, %dma_start3A_73] : memref<10112x64xbf16, #tpu.memory_space<vmem_shared>> -> memref<10112x64xbf16, #tpu.memory_space<vmem_shared>>
          tpu.enqueue_indirect_dma source(%arg9 : memref<128x64xbf16, #tpu.memory_space<vmem>>) target(%dma_start3A_74 : memref<10112x64xbf16, #tpu.memory_space<vmem_shared>>) offsets(%dma_start3A_71 : memref<128xi32, #tpu.memory_space<vmem>>) semaphore(%run_scoped3A : memref<!tpu.dma_semaphore, #tpu.memory_space<semaphore_mem>>) {add = true}
          %dma_wait3A_75 = arith.constant 0 : i32
          %dma_wait3A_76 = tpu.memref_slice %arg8[%scan3A_46, %dma_wait3A_75] : memref<79x128xi32, #tpu.memory_space<vmem>> -> memref<1x128xi32, #tpu.memory_space<vmem>>
          %dma_wait3A_77 = tpu.memref_squeeze %dma_wait3A_76 : memref<1x128xi32, #tpu.memory_space<vmem>> -> memref<128xi32, #tpu.memory_space<vmem>>
          %dma_wait3A_78 = arith.constant 0 : i32
          %dma_wait3A_79 = arith.constant 0 : i32
          %dma_wait3A_80 = tpu.memref_slice %arg14[%dma_wait3A_78, %dma_wait3A_79] : memref<10112x64xbf16, #tpu.memory_space<vmem_shared>> -> memref<10112x64xbf16, #tpu.memory_space<vmem_shared>>
          tpu.wait_indirect_dma semaphore(%run_scoped3A : memref<!tpu.dma_semaphore, #tpu.memory_space<semaphore_mem>>) src(%arg9 : memref<128x64xbf16, #tpu.memory_space<vmem>>) dst(%dma_wait3A_80 : memref<10112x64xbf16, #tpu.memory_space<vmem_shared>>)
          tpu.yield
        }) : () -> ()
      } else {
      }
      %rem3A_50 = arith.constant 2 : i32
      %rem3A_51 = arith.remsi %scan3A_46, %rem3A_50 : i32
      %eq3A_52 = arith.constant 1 : i32
      %eq3A_53 = arith.cmpi eq, %rem3A_51, %eq3A_52 : i32
      %convert_element_type3A_54 = arith.extui %eq3A_53 : i1 to i32
      %cond3A_55 = arith.constant 0 : i32
      %cond3A_56 = arith.cmpi ne, %convert_element_type3A_54, %cond3A_55 : i32
      scf.if %cond3A_56 {
        %dma_wait3A_57 = arith.constant 0 : i32
        %dma_wait3A_58 = tpu.memref_slice %arg7[%scan3A_46, %dma_wait3A_57] : memref<79x128xi32, #tpu.memory_space<vmem>> -> memref<1x128xi32, #tpu.memory_space<vmem>>
        %dma_wait3A_59 = tpu.memref_squeeze %dma_wait3A_58 : memref<1x128xi32, #tpu.memory_space<vmem>> -> memref<128xi32, #tpu.memory_space<vmem>>
        %dma_wait3A_60 = arith.constant 0 : i32
        %dma_wait3A_61 = arith.constant 0 : i32
        %dma_wait3A_62 = tpu.memref_slice %arg2[%dma_wait3A_60, %dma_wait3A_61] : memref<10000x64xbf16, #tpu.memory_space<hbm>> -> memref<10000x64xbf16, #tpu.memory_space<hbm>>
        tpu.wait_indirect_dma semaphore(%arg12 : memref<!tpu.dma_semaphore, #tpu.memory_space<semaphore_mem>>) src(%dma_wait3A_62 : memref<10000x64xbf16, #tpu.memory_space<hbm>>) dst(%arg10 : memref<128x64xbf16, #tpu.memory_space<vmem>>)
        %add3A_63 = arith.constant 1 : i32
        %add3A_64 = arith.addi %scan3A_46, %add3A_63 : i32
        %lt3A = arith.constant 79 : i32
        %lt3A_65 = arith.cmpi slt, %add3A_64, %lt3A : i32
        %convert_element_type3A_66 = arith.extui %lt3A_65 : i1 to i32
        %cond3A_67 = arith.constant 0 : i32
        %cond3A_68 = arith.cmpi ne, %convert_element_type3A_66, %cond3A_67 : i32
        scf.if %cond3A_68 {
          %add3A_69 = arith.constant 1 : i32
          %add3A_70 = arith.addi %scan3A_46, %add3A_69 : i32
          %dma_start3A_71 = arith.constant 0 : i32
          %dma_start3A_72 = tpu.memref_slice %arg7[%add3A_70, %dma_start3A_71] : memref<79x128xi32, #tpu.memory_space<vmem>> -> memref<1x128xi32, #tpu.memory_space<vmem>>
          %dma_start3A_73 = tpu.memref_squeeze %dma_start3A_72 : memref<1x128xi32, #tpu.memory_space<vmem>> -> memref<128xi32, #tpu.memory_space<vmem>>
          %dma_start3A_74 = arith.constant 0 : i32
          %dma_start3A_75 = arith.constant 0 : i32
          %dma_start3A_76 = tpu.memref_slice %arg2[%dma_start3A_74, %dma_start3A_75] : memref<10000x64xbf16, #tpu.memory_space<hbm>> -> memref<10000x64xbf16, #tpu.memory_space<hbm>>
          tpu.enqueue_indirect_dma source(%dma_start3A_76 : memref<10000x64xbf16, #tpu.memory_space<hbm>>) target(%arg9 : memref<128x64xbf16, #tpu.memory_space<vmem>>) offsets(%dma_start3A_73 : memref<128xi32, #tpu.memory_space<vmem>>) semaphore(%arg11 : memref<!tpu.dma_semaphore, #tpu.memory_space<semaphore_mem>>)
        } else {
        }
        "tpu.region"() ({
          %run_scoped3A = tpu.sem_alloc : memref<!tpu.dma_semaphore, #tpu.memory_space<semaphore_mem>>
          %dma_start3A_69 = arith.constant 0 : i32
          %dma_start3A_70 = tpu.memref_slice %arg8[%scan3A_46, %dma_start3A_69] : memref<79x128xi32, #tpu.memory_space<vmem>> -> memref<1x128xi32, #tpu.memory_space<vmem>>
          %dma_start3A_71 = tpu.memref_squeeze %dma_start3A_70 : memref<1x128xi32, #tpu.memory_space<vmem>> -> memref<128xi32, #tpu.memory_space<vmem>>
          %dma_start3A_72 = arith.constant 0 : i32
          %dma_start3A_73 = arith.constant 0 : i32
          %dma_start3A_74 = tpu.memref_slice %arg14[%dma_start3A_72, %dma_start3A_73] : memref<10112x64xbf16, #tpu.memory_space<vmem_shared>> -> memref<10112x64xbf16, #tpu.memory_space<vmem_shared>>
          tpu.enqueue_indirect_dma source(%arg10 : memref<128x64xbf16, #tpu.memory_space<vmem>>) target(%dma_start3A_74 : memref<10112x64xbf16, #tpu.memory_space<vmem_shared>>) offsets(%dma_start3A_71 : memref<128xi32, #tpu.memory_space<vmem>>) semaphore(%run_scoped3A : memref<!tpu.dma_semaphore, #tpu.memory_space<semaphore_mem>>) {add = true}
          %dma_wait3A_75 = arith.constant 0 : i32
          %dma_wait3A_76 = tpu.memref_slice %arg8[%scan3A_46, %dma_wait3A_75] : memref<79x128xi32, #tpu.memory_space<vmem>> -> memref<1x128xi32, #tpu.memory_space<vmem>>
          %dma_wait3A_77 = tpu.memref_squeeze %dma_wait3A_76 : memref<1x128xi32, #tpu.memory_space<vmem>> -> memref<128xi32, #tpu.memory_space<vmem>>
          %dma_wait3A_78 = arith.constant 0 : i32
          %dma_wait3A_79 = arith.constant 0 : i32
          %dma_wait3A_80 = tpu.memref_slice %arg14[%dma_wait3A_78, %dma_wait3A_79] : memref<10112x64xbf16, #tpu.memory_space<vmem_shared>> -> memref<10112x64xbf16, #tpu.memory_space<vmem_shared>>
          tpu.wait_indirect_dma semaphore(%run_scoped3A : memref<!tpu.dma_semaphore, #tpu.memory_space<semaphore_mem>>) src(%arg10 : memref<128x64xbf16, #tpu.memory_space<vmem>>) dst(%dma_wait3A_80 : memref<10112x64xbf16, #tpu.memory_space<vmem_shared>>)
          tpu.yield
        }) : () -> ()
      } else {
      }
    }
    %scan3A_44 = arith.constant 79 : i32
    %barrier3A_45 = arith.constant 0 : index
    tpu.barrier barrier_id(%barrier3A_45)
    "tpu.region"() ({
      %run_scoped3A = tpu.sem_alloc : memref<!tpu.dma_semaphore, #tpu.memory_space<semaphore_mem>>
      %dma_start3A_46 = arith.constant 0 : i32
      %dma_start3A_47 = tpu.memref_slice %arg6[%arg0, %mul3A_2, %dma_start3A_46] : memref<2x10112x64xbf16, #tpu.memory_space<hbm>> -> memref<1x632x64xbf16, #tpu.memory_space<hbm>>
      %dma_start3A_48 = tpu.memref_squeeze %dma_start3A_47 : memref<1x632x64xbf16, #tpu.memory_space<hbm>> -> memref<632x64xbf16, #tpu.memory_space<hbm>>
      %dma_start3A_49 = arith.constant 0 : i32
      %dma_start3A_50 = tpu.memref_slice %arg14[%mul3A_2, %dma_start3A_49] : memref<10112x64xbf16, #tpu.memory_space<vmem_shared>> -> memref<632x64xbf16, #tpu.memory_space<vmem_shared>>
      tpu.enqueue_dma source(%dma_start3A_50 : memref<632x64xbf16, #tpu.memory_space<vmem_shared>>) target(%dma_start3A_48 : memref<632x64xbf16, #tpu.memory_space<hbm>>) target_semaphore(%run_scoped3A : memref<!tpu.dma_semaphore, #tpu.memory_space<semaphore_mem>>)
      %dma_wait3A_51 = arith.constant 0 : i32
      %dma_wait3A_52 = tpu.memref_slice %arg6[%arg0, %mul3A_2, %dma_wait3A_51] : memref<2x10112x64xbf16, #tpu.memory_space<hbm>> -> memref<1x632x64xbf16, #tpu.memory_space<hbm>>
      %dma_wait3A_53 = tpu.memref_squeeze %dma_wait3A_52 : memref<1x632x64xbf16, #tpu.memory_space<hbm>> -> memref<632x64xbf16, #tpu.memory_space<hbm>>
      %dma_wait3A_54 = arith.constant 0 : i32
      %dma_wait3A_55 = tpu.memref_slice %arg14[%mul3A_2, %dma_wait3A_54] : memref<10112x64xbf16, #tpu.memory_space<vmem_shared>> -> memref<632x64xbf16, #tpu.memory_space<vmem_shared>>
      tpu.wait_dma2 semaphore(%run_scoped3A : memref<!tpu.dma_semaphore, #tpu.memory_space<semaphore_mem>>) src(%dma_wait3A_55 : memref<632x64xbf16, #tpu.memory_space<vmem_shared>>) dst(%dma_wait3A_53 : memref<632x64xbf16, #tpu.memory_space<hbm>>)
      tpu.yield
    }) : () -> ()
    return
  }
}

module attributes {stable_mosaic.version = 14 : i64} {
  func.func @_stage_a(%arg0: memref<2x10112x16xf32, #tpu.memory_space<vmem>>, %arg1: memref<10000x128xf32, #tpu.memory_space<vmem>>, %arg2: memref<128x64xf32, #tpu.memory_space<vmem>>, %arg3: memref<10000x64xbf16, #tpu.memory_space<vmem>>) attributes {dimension_semantics = [], scalar_prefetch = 0 : i64, scratch_operands = 0 : i64, tpu.core_type = #tpu.core_type<tc>} {
    %get3A = arith.constant 0 : index
    %get3A_0 = arith.constant 0 : index
    %get3A_1 = vector.load %arg1[%get3A, %get3A_0] : memref<10000x128xf32, #tpu.memory_space<vmem>>, vector<10000x128xf32>
    %get3A_2 = arith.constant 0 : index
    %get3A_3 = arith.constant 0 : index
    %get3A_4 = vector.load %arg2[%get3A_2, %get3A_3] : memref<128x64xf32, #tpu.memory_space<vmem>>, vector<128x64xf32>
    %dot_general3A = arith.constant dense<0.000000e+00> : vector<10000x64xf32>
    %dot_general3A_5 = tpu.matmul %get3A_1, %get3A_4, %dot_general3A {dimension_numbers = #tpu.dot_dimension_numbers<[1], [0], [0], [1], [0, 0, 1, 1], [], []>, transpose_lhs_hint = false} : vector<10000x128xf32>, vector<128x64xf32>, vector<10000x64xf32> -> vector<10000x64xf32>
    %get3A_6 = arith.constant 0 : index
    %get3A_7 = arith.constant 0 : index
    %get3A_8 = arith.constant 0 : index
    %get3A_9 = vector.load %arg0[%get3A_6, %get3A_7, %get3A_8] : memref<2x10112x16xf32, #tpu.memory_space<vmem>>, vector<2x10112x16xf32>
    %slice3A = vector.extract_strided_slice %get3A_9 {offsets = [0, 0, 0], sizes = [1, 10112, 1], strides = [1, 1, 1]} : vector<2x10112x16xf32> to vector<1x10112x1xf32>
    %squeeze3A = vector.shape_cast %slice3A : vector<1x10112x1xf32> to vector<10112x1xf32>
    %slice3A_10 = vector.extract_strided_slice %get3A_9 {offsets = [1, 0, 0], sizes = [1, 10112, 1], strides = [1, 1, 1]} : vector<2x10112x16xf32> to vector<1x10112x1xf32>
    %squeeze3A_11 = vector.shape_cast %slice3A_10 : vector<1x10112x1xf32> to vector<10112x1xf32>
    %add3A = arith.addf %squeeze3A, %squeeze3A_11 : vector<10112x1xf32>
    %add3A_12 = arith.constant 1.000000e+00 : f32
    %add3A_13 = vector.broadcast %add3A_12 : f32 to vector<10112x1xf32>
    %add3A_14 = arith.addf %add3A, %add3A_13 : vector<10112x1xf32>
    %rsqrt3A = math.rsqrt %add3A_14 : vector<10112x1xf32>
    %slice3A_15 = vector.extract_strided_slice %rsqrt3A {offsets = [0, 0], sizes = [10000, 1], strides = [1, 1]} : vector<10112x1xf32> to vector<10000x1xf32>
    %mul3A = vector.broadcast %slice3A_15 : vector<10000x1xf32> to vector<10000x64xf32>
    %mul3A_16 = arith.mulf %dot_general3A_5, %mul3A : vector<10000x64xf32>
    %convert_element_type3A = arith.truncf %mul3A_16 : vector<10000x64xf32> to vector<10000x64xbf16>
    %swap3A = arith.constant 0 : index
    %swap3A_17 = arith.constant 0 : index
    %swap3A_18 = vector.load %arg3[%swap3A, %swap3A_17] : memref<10000x64xbf16, #tpu.memory_space<vmem>>, vector<10000x64xbf16>
    tpu.vector_store %arg3[%swap3A, %swap3A_17], %convert_element_type3A {strides = array<i32>} : memref<10000x64xbf16, #tpu.memory_space<vmem>>, vector<10000x64xbf16>,
    return
  }
}

module attributes {stable_mosaic.version = 14 : i64} {
  func.func @_stage_mid(%arg0: memref<2x10112x16xf32, #tpu.memory_space<vmem>>, %arg1: memref<2x10112x64xbf16, #tpu.memory_space<vmem>>, %arg2: memref<10000x64xbf16, #tpu.memory_space<vmem>>, %arg3: memref<1x64xf32, #tpu.memory_space<vmem>>, %arg4: memref<64x64xf32, #tpu.memory_space<vmem>>, %arg5: memref<10000x64xbf16, #tpu.memory_space<vmem>>) attributes {dimension_semantics = [], scalar_prefetch = 0 : i64, scratch_operands = 0 : i64, tpu.core_type = #tpu.core_type<tc>} {
    %get3A = arith.constant 0 : index
    %get3A_0 = arith.constant 0 : index
    %get3A_1 = arith.constant 0 : index
    %get3A_2 = vector.load %arg0[%get3A, %get3A_0, %get3A_1] : memref<2x10112x16xf32, #tpu.memory_space<vmem>>, vector<2x10112x16xf32>
    %slice3A = vector.extract_strided_slice %get3A_2 {offsets = [0, 0, 0], sizes = [1, 10112, 1], strides = [1, 1, 1]} : vector<2x10112x16xf32> to vector<1x10112x1xf32>
    %squeeze3A = vector.shape_cast %slice3A : vector<1x10112x1xf32> to vector<10112x1xf32>
    %slice3A_3 = vector.extract_strided_slice %get3A_2 {offsets = [1, 0, 0], sizes = [1, 10112, 1], strides = [1, 1, 1]} : vector<2x10112x16xf32> to vector<1x10112x1xf32>
    %squeeze3A_4 = vector.shape_cast %slice3A_3 : vector<1x10112x1xf32> to vector<10112x1xf32>
    %add3A = arith.addf %squeeze3A, %squeeze3A_4 : vector<10112x1xf32>
    %add3A_5 = arith.constant 1.000000e+00 : f32
    %add3A_6 = vector.broadcast %add3A_5 : f32 to vector<10112x1xf32>
    %add3A_7 = arith.addf %add3A, %add3A_6 : vector<10112x1xf32>
    %rsqrt3A = math.rsqrt %add3A_7 : vector<10112x1xf32>
    %slice3A_8 = vector.extract_strided_slice %rsqrt3A {offsets = [0, 0], sizes = [10000, 1], strides = [1, 1]} : vector<10112x1xf32> to vector<10000x1xf32>
    %get3A_9 = arith.constant 0 : index
    %get3A_10 = arith.constant 0 : index
    %get3A_11 = arith.constant 0 : index
    %get3A_12 = vector.load %arg1[%get3A_9, %get3A_10, %get3A_11] : memref<2x10112x64xbf16, #tpu.memory_space<vmem>>, vector<1x10000x64xbf16>
    %get3A_13 = vector.shape_cast %get3A_12 : vector<1x10000x64xbf16> to vector<10000x64xbf16>
    %convert_element_type3A = arith.extf %get3A_13 : vector<10000x64xbf16> to vector<10000x64xf32>
    %get3A_14 = arith.constant 1 : index
    %get3A_15 = arith.constant 0 : index
    %get3A_16 = arith.constant 0 : index
    %get3A_17 = vector.load %arg1[%get3A_14, %get3A_15, %get3A_16] : memref<2x10112x64xbf16, #tpu.memory_space<vmem>>, vector<1x10000x64xbf16>
    %get3A_18 = vector.shape_cast %get3A_17 : vector<1x10000x64xbf16> to vector<10000x64xbf16>
    %convert_element_type3A_19 = arith.extf %get3A_18 : vector<10000x64xbf16> to vector<10000x64xf32>
    %add3A_20 = arith.addf %convert_element_type3A, %convert_element_type3A_19 : vector<10000x64xf32>
    %get3A_21 = arith.constant 0 : index
    %get3A_22 = arith.constant 0 : index
    %get3A_23 = vector.load %arg2[%get3A_21, %get3A_22] : memref<10000x64xbf16, #tpu.memory_space<vmem>>, vector<10000x64xbf16>
    %convert_element_type3A_24 = arith.extf %get3A_23 : vector<10000x64xbf16> to vector<10000x64xf32>
    %add3A_25 = arith.addf %add3A_20, %convert_element_type3A_24 : vector<10000x64xf32>
    %mul3A = vector.broadcast %slice3A_8 : vector<10000x1xf32> to vector<10000x64xf32>
    %mul3A_26 = arith.mulf %mul3A, %add3A_25 : vector<10000x64xf32>
    %get3A_27 = arith.constant 0 : index
    %get3A_28 = arith.constant 0 : index
    %get3A_29 = vector.load %arg3[%get3A_27, %get3A_28] : memref<1x64xf32, #tpu.memory_space<vmem>>, vector<1x64xf32>
    %add3A_30 = vector.broadcast %get3A_29 : vector<1x64xf32> to vector<10000x64xf32>
    %add3A_31 = arith.addf %mul3A_26, %add3A_30 : vector<10000x64xf32>
    %max3A = arith.constant 0.000000e+00 : f32
    %max3A_32 = vector.broadcast %max3A : f32 to vector<10000x64xf32>
    %max3A_33 = arith.maximumf %add3A_31, %max3A_32 : vector<10000x64xf32>
    %get3A_34 = arith.constant 0 : index
    %get3A_35 = arith.constant 0 : index
    %get3A_36 = vector.load %arg4[%get3A_34, %get3A_35] : memref<64x64xf32, #tpu.memory_space<vmem>>, vector<64x64xf32>
    %dot_general3A = arith.constant dense<0.000000e+00> : vector<10000x64xf32>
    %dot_general3A_37 = tpu.matmul %max3A_33, %get3A_36, %dot_general3A {dimension_numbers = #tpu.dot_dimension_numbers<[1], [0], [0], [1], [0, 0, 1, 1], [], []>, transpose_lhs_hint = false} : vector<10000x64xf32>, vector<64x64xf32>, vector<10000x64xf32> -> vector<10000x64xf32>
    %mul3A_38 = vector.broadcast %slice3A_8 : vector<10000x1xf32> to vector<10000x64xf32>
    %mul3A_39 = arith.mulf %dot_general3A_37, %mul3A_38 : vector<10000x64xf32>
    %convert_element_type3A_40 = arith.truncf %mul3A_39 : vector<10000x64xf32> to vector<10000x64xbf16>
    %swap3A = arith.constant 0 : index
    %swap3A_41 = arith.constant 0 : index
    %swap3A_42 = vector.load %arg5[%swap3A, %swap3A_41] : memref<10000x64xbf16, #tpu.memory_space<vmem>>, vector<10000x64xbf16>
    tpu.vector_store %arg5[%swap3A, %swap3A_41], %convert_element_type3A_40 {strides = array<i32>} : memref<10000x64xbf16, #tpu.memory_space<vmem>>, vector<10000x64xbf16>,
    return
  }
}

module attributes {stable_mosaic.version = 14 : i64} {
  func.func @_stage_out(%arg0: memref<2x10112x16xf32, #tpu.memory_space<vmem>>, %arg1: memref<2x10112x64xbf16, #tpu.memory_space<vmem>>, %arg2: memref<10000x64xbf16, #tpu.memory_space<vmem>>, %arg3: memref<1x64xf32, #tpu.memory_space<vmem>>, %arg4: memref<1x10000xi32, #tpu.memory_space<vmem>>, %arg5: memref<64x128xf32, #tpu.memory_space<vmem>>, %arg6: memref<1x128xf32, #tpu.memory_space<vmem>>, %arg7: memref<16x128xf32, #tpu.memory_space<vmem>>) attributes {dimension_semantics = [], scalar_prefetch = 0 : i64, scratch_operands = 0 : i64, tpu.core_type = #tpu.core_type<tc>} {
    %get3A = arith.constant 0 : index
    %get3A_0 = arith.constant 0 : index
    %get3A_1 = arith.constant 0 : index
    %get3A_2 = vector.load %arg0[%get3A, %get3A_0, %get3A_1] : memref<2x10112x16xf32, #tpu.memory_space<vmem>>, vector<2x10112x16xf32>
    %slice3A = vector.extract_strided_slice %get3A_2 {offsets = [0, 0, 0], sizes = [1, 10112, 1], strides = [1, 1, 1]} : vector<2x10112x16xf32> to vector<1x10112x1xf32>
    %squeeze3A = vector.shape_cast %slice3A : vector<1x10112x1xf32> to vector<10112x1xf32>
    %slice3A_3 = vector.extract_strided_slice %get3A_2 {offsets = [1, 0, 0], sizes = [1, 10112, 1], strides = [1, 1, 1]} : vector<2x10112x16xf32> to vector<1x10112x1xf32>
    %squeeze3A_4 = vector.shape_cast %slice3A_3 : vector<1x10112x1xf32> to vector<10112x1xf32>
    %add3A = arith.addf %squeeze3A, %squeeze3A_4 : vector<10112x1xf32>
    %add3A_5 = arith.constant 1.000000e+00 : f32
    %add3A_6 = vector.broadcast %add3A_5 : f32 to vector<10112x1xf32>
    %add3A_7 = arith.addf %add3A, %add3A_6 : vector<10112x1xf32>
    %rsqrt3A = math.rsqrt %add3A_7 : vector<10112x1xf32>
    %slice3A_8 = vector.extract_strided_slice %rsqrt3A {offsets = [0, 0], sizes = [10000, 1], strides = [1, 1]} : vector<10112x1xf32> to vector<10000x1xf32>
    %get3A_9 = arith.constant 0 : index
    %get3A_10 = arith.constant 0 : index
    %get3A_11 = arith.constant 0 : index
    %get3A_12 = vector.load %arg1[%get3A_9, %get3A_10, %get3A_11] : memref<2x10112x64xbf16, #tpu.memory_space<vmem>>, vector<1x10000x64xbf16>
    %get3A_13 = vector.shape_cast %get3A_12 : vector<1x10000x64xbf16> to vector<10000x64xbf16>
    %convert_element_type3A = arith.extf %get3A_13 : vector<10000x64xbf16> to vector<10000x64xf32>
    %get3A_14 = arith.constant 1 : index
    %get3A_15 = arith.constant 0 : index
    %get3A_16 = arith.constant 0 : index
    %get3A_17 = vector.load %arg1[%get3A_14, %get3A_15, %get3A_16] : memref<2x10112x64xbf16, #tpu.memory_space<vmem>>, vector<1x10000x64xbf16>
    %get3A_18 = vector.shape_cast %get3A_17 : vector<1x10000x64xbf16> to vector<10000x64xbf16>
    %convert_element_type3A_19 = arith.extf %get3A_18 : vector<10000x64xbf16> to vector<10000x64xf32>
    %add3A_20 = arith.addf %convert_element_type3A, %convert_element_type3A_19 : vector<10000x64xf32>
    %get3A_21 = arith.constant 0 : index
    %get3A_22 = arith.constant 0 : index
    %get3A_23 = vector.load %arg2[%get3A_21, %get3A_22] : memref<10000x64xbf16, #tpu.memory_space<vmem>>, vector<10000x64xbf16>
    %convert_element_type3A_24 = arith.extf %get3A_23 : vector<10000x64xbf16> to vector<10000x64xf32>
    %add3A_25 = arith.addf %add3A_20, %convert_element_type3A_24 : vector<10000x64xf32>
    %mul3A = vector.broadcast %slice3A_8 : vector<10000x1xf32> to vector<10000x64xf32>
    %mul3A_26 = arith.mulf %mul3A, %add3A_25 : vector<10000x64xf32>
    %get3A_27 = arith.constant 0 : index
    %get3A_28 = arith.constant 0 : index
    %get3A_29 = vector.load %arg3[%get3A_27, %get3A_28] : memref<1x64xf32, #tpu.memory_space<vmem>>, vector<1x64xf32>
    %add3A_30 = vector.broadcast %get3A_29 : vector<1x64xf32> to vector<10000x64xf32>
    %add3A_31 = arith.addf %mul3A_26, %add3A_30 : vector<10000x64xf32>
    %max3A = arith.constant 0.000000e+00 : f32
    %max3A_32 = vector.broadcast %max3A : f32 to vector<10000x64xf32>
    %max3A_33 = arith.maximumf %add3A_31, %max3A_32 : vector<10000x64xf32>
    %iota3A = tpu.iota {dimensions = array<i32: 0>} : vector<16x10000xi32>
    %get3A_34 = arith.constant 0 : index
    %get3A_35 = arith.constant 0 : index
    %get3A_36 = vector.load %arg4[%get3A_34, %get3A_35] : memref<1x10000xi32, #tpu.memory_space<vmem>>, vector<1x10000xi32>
    %broadcast_in_dim3A = vector.shape_cast %get3A_36 : vector<1x10000xi32> to vector<1x10000xi32>
    %broadcast_in_dim3A_37 = vector.broadcast %broadcast_in_dim3A : vector<1x10000xi32> to vector<16x10000xi32>
    %eq3A = arith.cmpi eq, %broadcast_in_dim3A_37, %iota3A : vector<16x10000xi32>
    %convert_element_type3A_38 = arith.extui %eq3A : vector<16x10000xi1> to vector<16x10000xi32>
    %convert_element_type3A_39 = arith.sitofp %convert_element_type3A_38 : vector<16x10000xi32> to vector<16x10000xf32>
    %dot_general3A = arith.constant dense<0.000000e+00> : vector<16x64xf32>
    %dot_general3A_40 = tpu.matmul %convert_element_type3A_39, %max3A_33, %dot_general3A {dimension_numbers = #tpu.dot_dimension_numbers<[1], [0], [0], [1], [0, 0, 1, 1], [], []>, transpose_lhs_hint = false} : vector<16x10000xf32>, vector<10000x64xf32>, vector<16x64xf32> -> vector<16x64xf32>
    %reduce_sum3A = arith.constant dense<0.000000e+00> : vector<16xf32>
    %reduce_sum3A_41 = vector.multi_reduction <add>, %convert_element_type3A_39, %reduce_sum3A [1] : vector<16x10000xf32> to vector<16xf32>
    %broadcast_in_dim3A_42 = vector.shape_cast %reduce_sum3A_41 : vector<16xf32> to vector<16x1xf32>
    %max3A_43 = arith.constant 1.000000e+00 : f32
    %max3A_44 = vector.broadcast %max3A_43 : f32 to vector<16x1xf32>
    %max3A_45 = arith.maximumf %broadcast_in_dim3A_42, %max3A_44 : vector<16x1xf32>
    %div3A = vector.broadcast %max3A_45 : vector<16x1xf32> to vector<16x64xf32>
    %div3A_46 = arith.divf %dot_general3A_40, %div3A : vector<16x64xf32>
    %get3A_47 = arith.constant 0 : index
    %get3A_48 = arith.constant 0 : index
    %get3A_49 = vector.load %arg5[%get3A_47, %get3A_48] : memref<64x128xf32, #tpu.memory_space<vmem>>, vector<64x128xf32>
    %dot_general3A_50 = arith.constant dense<0.000000e+00> : vector<16x128xf32>
    %dot_general3A_51 = tpu.matmul %div3A_46, %get3A_49, %dot_general3A_50 {dimension_numbers = #tpu.dot_dimension_numbers<[1], [0], [0], [1], [0, 0, 1, 1], [], []>, transpose_lhs_hint = false} : vector<16x64xf32>, vector<64x128xf32>, vector<16x128xf32> -> vector<16x128xf32>
    %get3A_52 = arith.constant 0 : index
    %get3A_53 = arith.constant 0 : index
    %get3A_54 = vector.load %arg6[%get3A_52, %get3A_53] : memref<1x128xf32, #tpu.memory_space<vmem>>, vector<1x128xf32>
    %add3A_55 = vector.broadcast %get3A_54 : vector<1x128xf32> to vector<16x128xf32>
    %add3A_56 = arith.addf %dot_general3A_51, %add3A_55 : vector<16x128xf32>
    %swap3A = arith.constant 0 : index
    %swap3A_57 = arith.constant 0 : index
    %swap3A_58 = vector.load %arg7[%swap3A, %swap3A_57] : memref<16x128xf32, #tpu.memory_space<vmem>>, vector<16x128xf32>
    tpu.vector_store %arg7[%swap3A, %swap3A_57], %add3A_56 {strides = array<i32>} : memref<16x128xf32, #tpu.memory_space<vmem>>, vector<16x128xf32>,
    return
  }
}

</mosaic_0001>

<sc_bundles>
// kernel: kernel.11.cloned.1.call-start
scs
__scs_entry_jumppad:
0x0: {  	(pc) =	sbr.rel $0x88, $3  }
0x1: {  	(tag) =	ssettag $0x0;
	lr =	simm.s32 $0x1  }
0x2: {  	[smem:$0x3F98] =	sst lr;
	_ =	strace $0xD0000000  }
0x3: {  	_ = 	snop  }
0x4: {  	_ = 	snop  }
0x5: {  	_ = 	snop  }
0x6: {  	_ = 	snop  }
0x7: {  	_ = 	snop  }
__scs_overlays_trampoline_lowered:
0x8: {  	[smem:$0x3FA7] =	sst s0  }
0x9: {  	[smem:$0x3FA8] =	sst s1  }
0xa: {  	[smem:$0x3FA9] =	sst s2  }
0xb: {  	[smem:$0x3FAA] =	sst s3  }
0xc: {  	[smem:$0x3FAB] =	sst s4  }
0xd: {  	[smem:$0x3FAC] =	sst s5  }
0xe: {  	[smem:$0x3FAD] =	sst s6  }
0xf: {  	[smem:$0x3FAE] =	sst s7  }
0x10: {  	[smem:$0x3FAF] =	sst s8  }
0x11: {  	[smem:$0x3FB0] =	sst s9;
	s0 =	simm.s32 @!p0 $0x0  }
0x12: {  	s1 =	sld [smem:$0x3F96];
	s0 =	simm.s32 @p0 $0x1  }
0x13: {  	[smem:$0x3FB1] =	sst s0;
	s0 =	simm.s32 @!p1 $0x0  }
0x14: {  	s2 =	sld [smem:$0x3F95];
	s0 =	simm.s32 @p1 $0x1  }
0x15: {  	[smem:$0x3FB2] =	sst s0;
	s0 =	simm.s32 @!p2 $0x0  }
0x16: {  	s3 =	sld [smem:$0x3FDB];
	s0 =	simm.s32 @p2 $0x1  }
0x17: {  	s4 =	simm.s32 $0x1BF5;
	[smem:$0x3FB4] =	sst s0  }
0x18: {  	s0 =	sld [smem:$0x3F97];
	_ =	swait.ge [sflag:s4], $0x0  }
0x19: {  	s7 =	sld [smem:$0x3F98]  }
0x1a: {  	s8 =	sadd.s32 $0xFFFFE003, lr  }
0x1b: {  	s9 =	sadd.s32 $0xFFFFFEF7, lr;
	s5 =	simm.s32 $0xFFFFFFFF;
	p2 =	slt.u32 s8, $0xFFFFF086  }
0x1c: {  	p1 =	slt.u32 s9, $0xF7A;
	s5 =	simm.s32 @!p2 $0x0  }
0x1d: {  	s5 =	simm.s32 @p1 $0x1;
	p0 =	seq.s32 s7, s2  }
0x1e: {  	s7 =	smul.u32 @!p0 $0xF7A, s2;
	p2 =	seq.s32 @!p0 s5, $0x0  }
0x1f: {  	s9 =	smul.u32 $0xF7A, s1;
	s8 =	simm.s32 @!p0 $0x1BF5;
	p2 =	por !p2, p0  }
0x20: {  	[sflag:s8] =	ssyncset.s32 @!p0 $0xFFFFF086;
	s6 =	sadd.s32 @!p0 s3, s7;
	s7 =	simm.s32 @!p0 $0x108  }
0x21: {  	s3 =	sadd.s32 s3, s9;
	s6 =	sadd.s32 @!p0 $0x88, s6;
	s7 =	simm.s32 @p2 $0x1082  }
0x22: {  	[simem:s7], [sflag:s8] =	dma.local @!p0 [hbm:s6], $0xF7A  }
0x23: {  	s9 =	sor.u32 $0xD0000000, s2;
	s6 =	simm.s32 $0x108;
	_ =	swait.ge @!p0 [sflag:s8], $0x0  }
0x24: {  	s3 =	sadd.s32 $0x88, s3;
	s6 =	simm.s32 @!p1 $0x1082;
	[sflag:s4] =	ssyncset.s32 $0xFFFFF086  }
0x25: {  	[simem:s6], [sflag:s4] =	dma.local [hbm:s3], $0xF7A  }
0x26: {  	[smem:$0x3F98] =	sst s1;
	(tag) =	ssettag s2;
	_ =	strace s9  }
0x27: {  	s1 =	sld [smem:$0x3FA8]  }
0x28: {  	s2 =	sld [smem:$0x3FA9]  }
0x29: {  	s4 =	sld [smem:$0x3FAB]  }
0x2a: {  	p0 =	seq.s32 s5, $0x0;
	s5 =	sld [smem:$0x3FAC]  }
0x2b: {  	s6 =	sld [smem:$0x3FAD]  }
0x2c: {  	s7 =	sld [smem:$0x3FAE]  }
0x2d: {  	s3 =	simm.s32 $0x108;
	s8 =	sld [smem:$0x3FAF]  }
0x2e: {  	s3 =	simm.s32 @!p0 $0x1082;
	s9 =	sld [smem:$0x3FB0]  }
0x2f: {  	lr =	sadd.s32 s0, s3;
	s0 =	sld [smem:$0x3FA7]  }
0x30: {  	s3 =	sld [smem:$0x3FAA]  }
0x31: {  	[smem:$0x3FB3] =	sst s10  }
0x32: {  	s10 =	sld [smem:$0x3FB1];
	_ =	sdelay $0x3  }
0x33: {  	p0 =	seq.s32 s10, $0x1;
	s10 =	sld [smem:$0x3FB3];
	_ =	sdelay $0x3  }
0x34: {  	[smem:$0x3FB3] =	sst s10  }
0x35: {  	s10 =	sld [smem:$0x3FB2];
	_ =	sdelay $0x3  }
0x36: {  	p1 =	seq.s32 s10, $0x1;
	s10 =	sld [smem:$0x3FB3];
	_ =	sdelay $0x3  }
0x37: {  	[smem:$0x3FB3] =	sst s10  }
0x38: {  	s10 =	sld [smem:$0x3FB4]  }
0x39: {  	_ = 	snop;
	(pc) =	sbr.ind lr, $3  }
0x3a: {  	_ = 	snop  }
0x3b: {  	_ = 	snop  }
0x3c: {  	p2 =	seq.s32 s10, $0x1;
	s10 =	sld [smem:$0x3FB3]  }
0x3d: {  	_ =	shalt  }
0x3e: {  	_ =	shalt  }
0x3f: {  	_ =	shalt  }
0x40: {  	_ =	shalt  }
0x41: {  	_ =	shalt  }
0x42: {  	_ =	shalt  }
0x43: {  	_ =	shalt  }
0x44: {  	_ =	shalt  }
0x45: {  	_ =	shalt  }
0x46: {  	_ =	shalt  }
0x47: {  	_ =	shalt  }
0x48: {  	_ =	shalt  }
0x49: {  	_ =	shalt  }
0x4a: {  	_ =	shalt  }
0x4b: {  	_ =	shalt  }
0x4c: {  	_ =	shalt  }
0x4d: {  	_ =	shalt  }
0x4e: {  	_ =	shalt  }
0x4f: {  	_ =	shalt  }
0x50: {  	_ =	shalt  }
0x51: {  	_ =	shalt  }
0x52: {  	_ =	shalt  }
0x53: {  	_ =	shalt  }
0x54: {  	_ =	shalt  }
0x55: {  	_ =	shalt  }
0x56: {  	_ =	shalt  }
0x57: {  	_ =	shalt  }
0x58: {  	_ =	shalt  }
0x59: {  	_ =	shalt  }
0x5a: {  	_ =	shalt  }
0x5b: {  	_ =	shalt  }
0x5c: {  	_ =	shalt  }
0x5d: {  	_ =	shalt  }
0x5e: {  	_ =	shalt  }
0x5f: {  	_ =	shalt  }
0x60: {  	_ =	shalt  }
0x61: {  	_ =	shalt  }
0x62: {  	_ =	shalt  }
0x63: {  	_ =	shalt  }
0x64: {  	_ =	shalt  }
0x65: {  	_ =	shalt  }
0x66: {  	_ =	shalt  }
0x67: {  	_ =	shalt  }
0x68: {  	_ =	shalt  }
0x69: {  	_ =	shalt  }
0x6a: {  	_ =	shalt  }
0x6b: {  	_ =	shalt  }
0x6c: {  	_ =	shalt  }
0x6d: {  	_ =	shalt  }
0x6e: {  	_ =	shalt  }
0x6f: {  	_ =	shalt  }
0x70: {  	_ =	shalt  }
0x71: {  	_ =	shalt  }
0x72: {  	_ =	shalt  }
0x73: {  	_ =	shalt  }
0x74: {  	_ =	shalt  }
0x75: {  	_ =	shalt  }
0x76: {  	_ =	shalt  }
0x77: {  	_ =	shalt  }
0x78: {  	_ =	shalt  }
0x79: {  	_ =	shalt  }
0x7a: {  	_ =	shalt  }
0x7b: {  	_ =	shalt  }
0x7c: {  	_ =	shalt  }
0x7d: {  	_ =	shalt  }
0x7e: {  	_ =	shalt  }
0x7f: {  	_ =	shalt  }
0x80: {  	_ =	shalt  }
0x81: {  	_ =	shalt  }
0x82: {  	_ =	shalt  }
0x83: {  	_ =	shalt  }
0x84: {  	_ =	shalt  }
0x85: {  	_ =	shalt  }
0x86: {  	_ =	shalt  }
0x87: {  	_ =	shalt  }
.Lfunc_end0:
.L_simem_size_0:
called_computation.1_lowered:
.L_overlay_start_0:
0x88: {  	s2 =	sld [smem:$0x3FD9]  }
0x89: {  	s3 =	sld [smem:$0x3FFE];
	_ =	sdelay $0x1  }
0x8a: {  	s1 =	srdreg.scid  }
0x8b: {  	s0 =	sand.u32 $0x1, s1  }
0x8c: {  	s16 =	sshll.u32 s0, $0xA;
	s2 =	sadd.s32 s3, s2  }
0x8d: {  	s2 =	sadd.s32 s2, s16  }
0x8e: {  	[smem:$0x3FBF] =	sst s2  }
0x8f: {  	_ = 	snop  }
0x90: {  	(tm) =	ssettm $0x1  }
0x91: {  	s17 =	sld [smem:$0x3FFB];
	_ =	sdelay $0x3  }
0x92: {  	_ =	strace s17  }
0x93: {  	s2 =	sld [smem:$0x3FFC];
	_ =	sdelay $0x3  }
0x94: {  	_ =	strace s2  }
0x95: {  	s2 =	sld [smem:$0x3FFD];
	_ =	sdelay $0x3  }
0x96: {  	_ =	strace s2  }
0x97: {  	_ =	strace $0x8FFFFFFF  }
0x98: {  	s18 =	sld [smem:$0x3FDB];
	_ =	sdelay $0x1  }
0x99: {  	s19 =	simm.s32 $_scs_section_size  }
0x9a: {  	s4 =	simm.s32 $_size__tile_overlayer_lowered;
	s5 =	simm.s32 $_tile_overlayer_lowered  }
0x9b: {  	s22 =	simm.s32 $0x1BFF;
	s21 =	sshll.u32 s5, $0x1;
	s2 =	sadd.s32 s19, s18  }
0x9c: {  	s6 =	simm.s32 $0x0;
	s20 =	sshll.u32 s4, $0x1;
	s4 =	sadd.s32 s21, s2  }
0x9d: {  	[timem:s6], [sflag:s22] =	dma.local [hbm:s4], s20  }
0x9e: {  	_ =	swait.ge [sflag:s22], s20  }
0x9f: {  	s3 =	ssub.s32 $0x0, s20;
	[sflag:s22] =	ssyncset.done $0x0  }
0xa0: {  	[sflag:s22] =	ssyncadd.s32 s3;
	_ =	sdelay $0x1  }
0xa1: {  	s23 =	simm.s32 $0x1B8B  }
0xa2: {  	_ =	swait.ge [sflag:s23], $0x1  }
0xa3: {  	[sflag:s23] =	ssyncset.done $0x0  }
0xa4: {  	s25 =	simm.s32 $0x1B8E;
	s24 =	sld [smem:$0x3FFE];
	[sflag:s23] =	ssyncadd.s32 $0xFFFFFFFF  }
0xa5: {  	s26 =	simm.s32 $execute0_lowered;
	[smem:$0x3FD2] =	sst s25  }
0xa6: {  	s4 =	sshll.u32 s26, $0x1;
	_ =	strace $0x80000049;
	[dreg:$0x1] =	wrdreg $0xFFFFFFFF  }
0xa7: {  	s28 =	simm.s32 $_size_execute0_lowered;
	s2 =	sadd.s32 s2, s4;
	[dreg:$0x0] =	wrdreg $0x0  }
0xa8: {  	s4 =	sshll.u32 s28, $0x1;
	[dreg:$0x2] =	wrdreg s2  }
0xa9: {  	[dreg:$0x3] =	wrdreg s4  }
0xaa: {  	[dreg:$0x4] =	wrdreg $0xC0  }
0xab: {  	_ =	task [dreg:s6], $0x5FFFF  }
0xac: {  	[dreg:$0x1] =	wrdreg $0xFFFFFFFF  }
0xad: {  	[dreg:$0x0] =	wrdreg $0x60  }
0xae: {  	[dreg:$0x2] =	wrdreg s24  }
0xaf: {  	[dreg:$0x3] =	wrdreg $0x6F000  }
0xb0: {  	[dreg:$0x4] =	wrdreg $0x9  }
0xb1: {  	_ =	task.clear_ibuf [dreg:s6], $0x5FFFF;
	_ =	strace $0x90000049  }
0xb2: {  	s29 =	simm.s32 $0x9;
	_ =	strace $0x8000004B  }
0xb3: {  	_ =	swait.ge [sflag:s29], $0x1  }
0xb4: {  	[sflag:s29] =	ssyncadd.s32 $0xFFFFFFFF  }
0xb5: {  	_ =	strace $0x9000004B  }
0xb6: {  	_ =	sfence  }
0xb7: {  	s30 =	sld [smem:$0x0];
	_ =	sdelay $0x2  }
0xb8: {  	s31 =	sshll.u32 s1, $0xD;
	s1 =	sshrl.u32 s1, $0x2  }
0xb9: {  	s3 =	sand.u32 $0x4000, s31;
	s1 =	sadd.s32 s1, s30  }
0xba: {  	s0 =	sor.u32 s3, s0;
	s1 =	sshll.u32 s1, $0x11  }
0xbb: {  	s0 =	sor.u32 s1, s0  }
0xbc: {  	s0 =	sadd.s32 $0x8F2B, s0  }
0xbd: {  	[sflag:s0] =	ssyncadd.remote.s32 $0x1  }
0xbe: {  	_ =	sfence.sel $0xFFFF  }
0xbf: {  	[dreg:$0x0] =	wrdreg $0xFFFFFFFF;
	(pc) =	sbr.abs _section_cstart, $3  }
0xc0: {  	[dreg:$0x1] =	wrdreg $0xFFFFFFFF  }
0xc1: {  	_ =	task.clear_ibuf [dreg:s6], $0x2FFFF;
	_ =	strace $0x9FFFFFFF  }
0xc2: {  	(tm) =	ssettm $0x7FFFFFFF  }
0xc3: {  	_ =	shalt  }
tec
execute0_lowered:
.L_overlay_start_1:
0x0: {  	(tag) =	ssettag $0x1  }
0x1: {  	s1 =	srdreg.scid  }
0x2: {  	s0 =	stileid.u32;
	s6 =	rddreg [dreg:$0x0]  }
0x3: {  	s2 =	rddreg [dreg:$0x1];
	s3 =	simm.s32 $0x0;
	s13 =	simm.s32 $0x3  }
0x4: {  	s14 =	simm.s32 $0x4F00;
	s15 =	simm.s32 $0x1;
	s16 =	simm.s32 $0x80  }
0x5: {  	s17 =	simm.s32 $0x4E80;
	s18 =	simm.s32 $0x5;
	s19 =	simm.s32 $0x0  }
0x6: {  	s5 =	sand.u32 $0x1, s1;
	s28 =	sshll.u32 s0, $0x1;
	s8 =	smul.u32 $0x9E00, s0  }
0x7: {  	[smem:$0x7FF] =	sst s3;
	s4 =	sadd.s32 $0xB800, s6;
	s31 =	sshll.u32 s0, $0x6  }
0x8: {  	s1 =	sor.u32 s5, s28;
	s9 =	smul.u32 $0x9E000, s5;
	s5 =	ssub.s32 $0x2, s5  }
0x9: {  	s7 =	smul.u32 $0x4F0, s1;
	s1 =	rddreg [dreg:$0x2];
	_ =	strace $0x8000004A  }
0xa: {  	s29 =	sshrl.u32 s8, $0x4;
	s30 =	sshrl.u32 s5, $0x1;
	s9 =	sadd.s32 s8, s9  }
0xb: {  	s8 =	sshrl.u32 s8, $0x1;
	s11 =	ssub.s32 s5, s30;
	s10 =	sadd.s32 s7, s6  }
0xc: {  	s7 =	sadd.s32 s29, s6;
	s9 =	sshrl.u32 s9, $0x4;
	s12 =	sadd.s32 s8, s2  }
0xd: {  	s9 =	sadd.s32 s9, s6;
	s5 =	sadd.s32 $0x1A600, s7;
	s6 =	sor.u32 $0x1C04, s31  }
0xe: {  	s7 =	sadd.s32 $0x24400, s10;
	s8 =	sadd.s32 $0x1A00, s10;
	s10 =	smax.u32 s11, $0x1  }
0xf: {  	s11 =	sshrl.u32 s12, $0x3;
	s12 =	simm.s32 $0x4;
	s9 =	sadd.s32 $0x2E200, s9  }
.LBB2_1:
0x10: {  	[spmem:s11], [sflag:s6] =	dma.local [hbm:s5], $0x9E0  }
0x11: {  	_ =	swait.ge [sflag:s12], $0x9E0  }
0x12: {  	[sflag:s12] =	ssyncset.done $0x0  }
0x13: {  	[sflag:s12] =	ssyncadd.s32 $0xFFFFF620  }
0x14: {  	[tilespmem:s3], [sflag:$0x3] =	stream.linear.gather [hbm4b:s7+s3], $0x2780, $0x38;
	[tilespmem:$0xBE00] =	vst v63  }
0x15: {  	_ =	swait.ge [sflag:s13], $0x2780  }
0x16: {  	[sflag:s13] =	ssyncset.done $0x0  }
0x17: {  	s20 =	simm.s32 $0x2780;
	[sflag:s13] =	ssyncadd.s32 $0xFFFFD880  }
0x18: {  	[tilespmem:s20], [sflag:$0x3] =	stream.linear.gather [hbm4b:s8+s3], $0x2780, $0x38;
	[tilespmem:$0xBE00] =	vst v63  }
0x19: {  	_ =	swait.ge [sflag:s13], $0x2780  }
0x1a: {  	s21 =	sand.u32 $0x1, s3;
	[sflag:s13] =	ssyncset.done $0x0  }
0x1b: {  	p0 =	seq.s32 s21, $0x1;
	[sflag:s13] =	ssyncadd.s32 $0xFFFFD880  }
0x1c: {  	s21 =	simm.s32 @p0 $0x2;
	[bflag:$0x0] =	sbarrier.arrive $0xFFFF  }
0x1d: {  	[tilespmem:s14], [sflag:$0x1] =	stream.indirect.gather [hbm4b:s4+s16], $0x20, s3, s16, $0xb8;
	[tilespmem:$0xBE00] =	vst v63  }
0x1e: {  	_ =	swait.ge @p0 [sflag:s21], $0x1000  }
0x1f: {  	[sflag:s21] =	ssyncset.done @p0 $0x0  }
0x20: {  	s22 =	simm.s32 @p0 $0x4F00;
	[sflag:s21] =	ssyncadd.s32 @p0 $0xFFFFF000;
	s21 =	simm.s32 @p0 $0x80  }
0x21: {  	[tilespmem:s22], [sflag:$0x1] =	stream.indirect.gather @p0 [hbm4b:s4+s21], $0x20, s16, s21, $0xb8;
	[tilespmem:$0xBE00] =	vst v63  }
0x22: {  	s23 =	simm.s32 @!p0 $0x1;
	s22 =	simm.s32 @p0 $0x5F00  }
0x23: {  	[spmem:s2] =	stream.indirect.scatter.add.bf16 @p0 [tilespmem:s22], [sflag:$0x4], $0x20, s20, s21, $0xb8;
	[tilespmem:$0xBE00] =	vst v63  }
0x24: {  	_ =	swait.ge @!p0 [sflag:s23], $0x1000  }
0x25: {  	s22 =	simm.s32 @!p0 $0x5;
	[sflag:s23] =	ssyncset.done @!p0 $0x0  }
0x26: {  	s21 =	simm.s32 @!p0 $0x80;
	[sflag:s23] =	ssyncadd.s32 @!p0 $0xFFFFF000;
	s23 =	simm.s32 @!p0 $0x5F00  }
0x27: {  	[tilespmem:s23], [sflag:$0x2] =	stream.indirect.gather @!p0 [hbm4b:s4+s21], $0x20, s16, s21, $0xb8;
	[tilespmem:$0xBE00] =	vst v63  }
0x28: {  	s24 =	simm.s32 $0x1;
	s22 =	simm.s32 @p0 $0x4;
	s23 =	simm.s32 @!p0 $0x4F00  }
0x29: {  	[spmem:s2] =	stream.indirect.scatter.add.bf16 @!p0 [tilespmem:s23], [sflag:$0x5], $0x20, s20, s21, $0xb8;
	[tilespmem:$0xBE00] =	vst v63  }
0x2a: {  	s24 =	sand.u32 $0x1, s24;
	s23 =	simm.s32 $0x2;
	_ =	swait.ge [sflag:s22], $0x1000  }
0x2b: {  	s20 =	simm.s32 $0x100;
	s21 =	simm.s32 $0x2800;
	[sflag:s22] =	ssyncset.done $0x0  }
.LBB2_2:
0x2c: {  	p1 =	seq.s32 s24, $0x1  }
0x2d: {  	[sflag:s22] =	ssyncadd.s32 $0xFFFFF000;
	s24 =	smov.u32 s23;
	s23 =	sadd.s32 $0x1, s23  }
0x2e: {  	p0 =	sne.s32 s23, $0x4E;
	s25 =	simm.s32 @p1 $0x2;
	s22 =	simm.s32 @!p1 $0x5  }
0x2f: {  	_ =	swait.ge @p1 [sflag:s25], $0x1000  }
0x30: {  	[sflag:s25] =	ssyncset.done @p1 $0x0  }
0x31: {  	s26 =	simm.s32 @p1 $0x4F00;
	[sflag:s25] =	ssyncadd.s32 @p1 $0xFFFFF000;
	s25 =	simm.s32 @p1 $0x80  }
0x32: {  	[tilespmem:s26], [sflag:$0x1] =	stream.indirect.gather @p1 [hbm4b:s4+s25], $0x20, s20, s25, $0xb8;
	[tilespmem:$0xBE00] =	vst v63  }
0x33: {  	s28 =	simm.s32 @!p1 $0x1;
	s26 =	simm.s32 @p1 $0x5F00  }
0x34: {  	[spmem:s2] =	stream.indirect.scatter.add.bf16 @p1 [tilespmem:s26], [sflag:$0x4], $0x20, s21, s25, $0xb8;
	[tilespmem:$0xBE00] =	vst v63  }
0x35: {  	_ =	swait.ge @!p1 [sflag:s28], $0x1000  }
0x36: {  	[sflag:s28] =	ssyncset.done @!p1 $0x0  }
0x37: {  	s25 =	simm.s32 @!p1 $0x80;
	s26 =	simm.s32 @!p1 $0x5F00;
	[sflag:s28] =	ssyncadd.s32 @!p1 $0xFFFFF000  }
0x38: {  	[tilespmem:s26], [sflag:$0x2] =	stream.indirect.gather @!p1 [hbm4b:s4+s25], $0x20, s20, s25, $0xb8;
	[tilespmem:$0xBE00] =	vst v63  }
.Ltmp0:
0x39: {  	_ = 	snop;
	(pc) =	sbr.rel @p0 .LBB2_2-.Ltmp0, $4  }
0x3a: {  	s22 =	simm.s32 @p1 $0x4;
	s26 =	simm.s32 @!p1 $0x4F00  }
0x3b: {  	[spmem:s2] =	stream.indirect.scatter.add.bf16 @!p1 [tilespmem:s26], [sflag:$0x5], $0x20, s21, s25, $0xb8;
	[tilespmem:$0xBE00] =	vst v63  }
0x3c: {  	s20 =	sadd.s32 $0x80, s20;
	_ =	swait.ge [sflag:s22], $0x1000  }
0x3d: {  	s24 =	sand.u32 $0x1, s24;
	s21 =	sadd.s32 $0x80, s21;
	[sflag:s22] =	ssyncset.done $0x0  }
0x3e: {  	p0 =	seq.s32 s24, $0x1  }
0x3f: {  	[sflag:s22] =	ssyncadd.s32 $0xFFFFF000;
	s22 =	simm.s32 @p0 $0x2  }
0x40: {  	_ =	swait.ge @p0 [sflag:s22], $0x1000  }
0x41: {  	[sflag:s22] =	ssyncset.done @p0 $0x0  }
0x42: {  	s23 =	simm.s32 @p0 $0x4F00;
	[sflag:s22] =	ssyncadd.s32 @p0 $0xFFFFF000;
	s22 =	simm.s32 @p0 $0x80  }
0x43: {  	[tilespmem:s23], [sflag:$0x1] =	stream.indirect.gather @p0 [hbm4b:s4+s22], $0x20, s20, s22, $0xb8;
	[tilespmem:$0xBE00] =	vst v63  }
0x44: {  	s24 =	simm.s32 @!p0 $0x1;
	s23 =	simm.s32 @p0 $0x5F00  }
0x45: {  	[spmem:s2] =	stream.indirect.scatter.add.bf16 @p0 [tilespmem:s23], [sflag:$0x4], $0x20, s21, s22, $0xb8;
	[tilespmem:$0xBE00] =	vst v63  }
0x46: {  	_ =	swait.ge @!p0 [sflag:s24], $0x1000  }
0x47: {  	s22 =	simm.s32 @!p0 $0x5;
	[sflag:s24] =	ssyncset.done @!p0 $0x0  }
0x48: {  	s23 =	simm.s32 @!p0 $0x80;
	[sflag:s24] =	ssyncadd.s32 @!p0 $0xFFFFF000;
	s24 =	simm.s32 @!p0 $0x5F00  }
0x49: {  	[tilespmem:s24], [sflag:$0x2] =	stream.indirect.gather @!p0 [hbm4b:s4+s23], $0x20, s20, s23, $0xb8;
	[tilespmem:$0xBE00] =	vst v63  }
0x4a: {  	s22 =	simm.s32 @p0 $0x4;
	s20 =	simm.s32 @!p0 $0x4F00  }
0x4b: {  	[spmem:s2] =	stream.indirect.scatter.add.bf16 @!p0 [tilespmem:s20], [sflag:$0x5], $0x20, s21, s23, $0xb8;
	[tilespmem:$0xBE00] =	vst v63  }
0x4c: {  	_ =	swait.ge [sflag:s22], $0x1000  }
0x4d: {  	[sflag:s22] =	ssyncset.done $0x0  }
0x4e: {  	[sflag:s22] =	ssyncadd.s32 $0xFFFFF000  }
0x4f: {  	_ =	swait.ge [sflag:s15], $0x1000  }
0x50: {  	[sflag:s15] =	ssyncset.done $0x0  }
0x51: {  	[sflag:s15] =	ssyncadd.s32 $0xFFFFF000  }
0x52: {  	[spmem:s2] =	stream.indirect.scatter.add.bf16 [tilespmem:s14], [sflag:$0x5], $0x20, s17, s16, $0xb8;
	[tilespmem:$0xBE00] =	vst v63  }
0x53: {  	_ =	swait.ge [sflag:s18], $0x1000  }
0x54: {  	s19 =	sadd.s32 $0x1, s19;
	[sflag:s18] =	ssyncset.done $0x0  }
0x55: {  	p0 =	sne.s32 s19, s10;
	[sflag:s18] =	ssyncadd.s32 $0xFFFFF000  }
.Ltmp1:
0x56: {  	[bflag:$0x0] =	sbarrier.arrive $0xFFFF;
	(pc) =	sbr.rel @p0 .LBB2_1-.Ltmp1, $4  }
0x57: {  	[hbm:s9], [sflag:s6] =	dma.local [spmem:s11], $0x9E0  }
0x58: {  	_ =	swait.ge [sflag:s12], $0x9E0  }
0x59: {  	[sflag:s12] =	ssyncset.done $0x0  }
0x5a: {  	[sflag:s12] =	ssyncadd.s32 $0xFFFFF620  }
0x5b: {  	_ =	sfence.sel $0x180000  }
0x5c: {  	[bflag:$0x0] =	sbarrier.arrive $0xFFFF  }
0x5d: {  	p0 =	sne.s32 s0, $0x0;
	_ =	strace $0x9000004A  }
0x5e: {  	s0 =	sadd.s32 @!p0 $0x100000, s1;
	[bflag:$0x2] =	sbarrier.arrive $0xFFFF  }
0x5f: {  	[sflag:s0] =	ssyncadd.tile.s32 @!p0 $0x1;
	_ =	shalt  }
.Lfunc_end2:
_tile_overlayer_lowered:
.L_overlay_start_2:
0x60: {  	(tag) =	ssettag $0x2  }
0x61: {  	s0 =	rddreg [dreg:$0x0];
	s2 =	stileid.u32  }
0x62: {  	s1 =	rddreg [dreg:$0x1];
	p0 =	sne.s32 s2, $0x0  }
0x63: {  	s3 =	rddreg [dreg:$0x2];
	[bflag:$0x3] =	sbarrier.arrive $0xFFFF;
	s2 =	simm.s32 @!p0 $0x1C04  }
0x64: {  	[timem:s3], [sflag:s2] =	dma.local @!p0 [hbm:s0], s1  }
0x65: {  	s0 =	simm.s32 @!p0 $0x4  }
0x66: {  	_ =	swait.ge @!p0 [sflag:s0], s1  }
0x67: {  	s1 =	ssub.s32 @!p0 $0x0, s1;
	[sflag:s0] =	ssyncset.done @!p0 $0x0  }
0x68: {  	[sflag:s0] =	ssyncadd.s32 @!p0 s1  }
0x69: {  	[bflag:$0x3] =	sbarrier.arrive $0xFFFF  }
0x6a: {  	_ =	shalt  }

// kernel: kernel.14.cloned.1.call-start
scs
__scs_entry_jumppad:
0x0: {  	(pc) =	sbr.rel $0x88, $3  }
0x1: {  	(tag) =	ssettag $0x0;
	lr =	simm.s32 $0x1  }
0x2: {  	[smem:$0x3F98] =	sst lr;
	_ =	strace $0xD0000000  }
0x3: {  	_ = 	snop  }
0x4: {  	_ = 	snop  }
0x5: {  	_ = 	snop  }
0x6: {  	_ = 	snop  }
0x7: {  	_ = 	snop  }
__scs_overlays_trampoline_lowered:
0x8: {  	[smem:$0x3FA7] =	sst s0  }
0x9: {  	[smem:$0x3FA8] =	sst s1  }
0xa: {  	[smem:$0x3FA9] =	sst s2  }
0xb: {  	[smem:$0x3FAA] =	sst s3  }
0xc: {  	[smem:$0x3FAB] =	sst s4  }
0xd: {  	[smem:$0x3FAC] =	sst s5  }
0xe: {  	[smem:$0x3FAD] =	sst s6  }
0xf: {  	[smem:$0x3FAE] =	sst s7  }
0x10: {  	[smem:$0x3FAF] =	sst s8  }
0x11: {  	[smem:$0x3FB0] =	sst s9;
	s0 =	simm.s32 @!p0 $0x0  }
0x12: {  	s1 =	sld [smem:$0x3F96];
	s0 =	simm.s32 @p0 $0x1  }
0x13: {  	[smem:$0x3FB1] =	sst s0;
	s0 =	simm.s32 @!p1 $0x0  }
0x14: {  	s2 =	sld [smem:$0x3F95];
	s0 =	simm.s32 @p1 $0x1  }
0x15: {  	[smem:$0x3FB2] =	sst s0;
	s0 =	simm.s32 @!p2 $0x0  }
0x16: {  	s3 =	sld [smem:$0x3FDB];
	s0 =	simm.s32 @p2 $0x1  }
0x17: {  	s4 =	simm.s32 $0x1BF5;
	[smem:$0x3FB4] =	sst s0  }
0x18: {  	s0 =	sld [smem:$0x3F97];
	_ =	swait.ge [sflag:s4], $0x0  }
0x19: {  	s7 =	sld [smem:$0x3F98]  }
0x1a: {  	s8 =	sadd.s32 $0xFFFFE003, lr  }
0x1b: {  	s9 =	sadd.s32 $0xFFFFFEF7, lr;
	s5 =	simm.s32 $0xFFFFFFFF;
	p2 =	slt.u32 s8, $0xFFFFF086  }
0x1c: {  	p1 =	slt.u32 s9, $0xF7A;
	s5 =	simm.s32 @!p2 $0x0  }
0x1d: {  	s5 =	simm.s32 @p1 $0x1;
	p0 =	seq.s32 s7, s2  }
0x1e: {  	s7 =	smul.u32 @!p0 $0xF7A, s2;
	p2 =	seq.s32 @!p0 s5, $0x0  }
0x1f: {  	s9 =	smul.u32 $0xF7A, s1;
	s8 =	simm.s32 @!p0 $0x1BF5;
	p2 =	por !p2, p0  }
0x20: {  	[sflag:s8] =	ssyncset.s32 @!p0 $0xFFFFF086;
	s6 =	sadd.s32 @!p0 s3, s7;
	s7 =	simm.s32 @!p0 $0x108  }
0x21: {  	s3 =	sadd.s32 s3, s9;
	s6 =	sadd.s32 @!p0 $0x88, s6;
	s7 =	simm.s32 @p2 $0x1082  }
0x22: {  	[simem:s7], [sflag:s8] =	dma.local @!p0 [hbm:s6], $0xF7A  }
0x23: {  	s9 =	sor.u32 $0xD0000000, s2;
	s6 =	simm.s32 $0x108;
	_ =	swait.ge @!p0 [sflag:s8], $0x0  }
0x24: {  	s3 =	sadd.s32 $0x88, s3;
	s6 =	simm.s32 @!p1 $0x1082;
	[sflag:s4] =	ssyncset.s32 $0xFFFFF086  }
0x25: {  	[simem:s6], [sflag:s4] =	dma.local [hbm:s3], $0xF7A  }
0x26: {  	[smem:$0x3F98] =	sst s1;
	(tag) =	ssettag s2;
	_ =	strace s9  }
0x27: {  	s1 =	sld [smem:$0x3FA8]  }
0x28: {  	s2 =	sld [smem:$0x3FA9]  }
0x29: {  	s4 =	sld [smem:$0x3FAB]  }
0x2a: {  	p0 =	seq.s32 s5, $0x0;
	s5 =	sld [smem:$0x3FAC]  }
0x2b: {  	s6 =	sld [smem:$0x3FAD]  }
0x2c: {  	s7 =	sld [smem:$0x3FAE]  }
0x2d: {  	s3 =	simm.s32 $0x108;
	s8 =	sld [smem:$0x3FAF]  }
0x2e: {  	s3 =	simm.s32 @!p0 $0x1082;
	s9 =	sld [smem:$0x3FB0]  }
0x2f: {  	lr =	sadd.s32 s0, s3;
	s0 =	sld [smem:$0x3FA7]  }
0x30: {  	s3 =	sld [smem:$0x3FAA]  }
0x31: {  	[smem:$0x3FB3] =	sst s10  }
0x32: {  	s10 =	sld [smem:$0x3FB1];
	_ =	sdelay $0x3  }
0x33: {  	p0 =	seq.s32 s10, $0x1;
	s10 =	sld [smem:$0x3FB3];
	_ =	sdelay $0x3  }
0x34: {  	[smem:$0x3FB3] =	sst s10  }
0x35: {  	s10 =	sld [smem:$0x3FB2];
	_ =	sdelay $0x3  }
0x36: {  	p1 =	seq.s32 s10, $0x1;
	s10 =	sld [smem:$0x3FB3];
	_ =	sdelay $0x3  }
0x37: {  	[smem:$0x3FB3] =	sst s10  }
0x38: {  	s10 =	sld [smem:$0x3FB4]  }
0x39: {  	_ = 	snop;
	(pc) =	sbr.ind lr, $3  }
0x3a: {  	_ = 	snop  }
0x3b: {  	_ = 	snop  }
0x3c: {  	p2 =	seq.s32 s10, $0x1;
	s10 =	sld [smem:$0x3FB3]  }
0x3d: {  	_ =	shalt  }
0x3e: {  	_ =	shalt  }
0x3f: {  	_ =	shalt  }
0x40: {  	_ =	shalt  }
0x41: {  	_ =	shalt  }
0x42: {  	_ =	shalt  }
0x43: {  	_ =	shalt  }
0x44: {  	_ =	shalt  }
0x45: {  	_ =	shalt  }
0x46: {  	_ =	shalt  }
0x47: {  	_ =	shalt  }
0x48: {  	_ =	shalt  }
0x49: {  	_ =	shalt  }
0x4a: {  	_ =	shalt  }
0x4b: {  	_ =	shalt  }
0x4c: {  	_ =	shalt  }
0x4d: {  	_ =	shalt  }
0x4e: {  	_ =	shalt  }
0x4f: {  	_ =	shalt  }
0x50: {  	_ =	shalt  }
0x51: {  	_ =	shalt  }
0x52: {  	_ =	shalt  }
0x53: {  	_ =	shalt  }
0x54: {  	_ =	shalt  }
0x55: {  	_ =	shalt  }
0x56: {  	_ =	shalt  }
0x57: {  	_ =	shalt  }
0x58: {  	_ =	shalt  }
0x59: {  	_ =	shalt  }
0x5a: {  	_ =	shalt  }
0x5b: {  	_ =	shalt  }
0x5c: {  	_ =	shalt  }
0x5d: {  	_ =	shalt  }
0x5e: {  	_ =	shalt  }
0x5f: {  	_ =	shalt  }
0x60: {  	_ =	shalt  }
0x61: {  	_ =	shalt  }
0x62: {  	_ =	shalt  }
0x63: {  	_ =	shalt  }
0x64: {  	_ =	shalt  }
0x65: {  	_ =	shalt  }
0x66: {  	_ =	shalt  }
0x67: {  	_ =	shalt  }
0x68: {  	_ =	shalt  }
0x69: {  	_ =	shalt  }
0x6a: {  	_ =	shalt  }
0x6b: {  	_ =	shalt  }
0x6c: {  	_ =	shalt  }
0x6d: {  	_ =	shalt  }
0x6e: {  	_ =	shalt  }
0x6f: {  	_ =	shalt  }
0x70: {  	_ =	shalt  }
0x71: {  	_ =	shalt  }
0x72: {  	_ =	shalt  }
0x73: {  	_ =	shalt  }
0x74: {  	_ =	shalt  }
0x75: {  	_ =	shalt  }
0x76: {  	_ =	shalt  }
0x77: {  	_ =	shalt  }
0x78: {  	_ =	shalt  }
0x79: {  	_ =	shalt  }
0x7a: {  	_ =	shalt  }
0x7b: {  	_ =	shalt  }
0x7c: {  	_ =	shalt  }
0x7d: {  	_ =	shalt  }
0x7e: {  	_ =	shalt  }
0x7f: {  	_ =	shalt  }
0x80: {  	_ =	shalt  }
0x81: {  	_ =	shalt  }
0x82: {  	_ =	shalt  }
0x83: {  	_ =	shalt  }
0x84: {  	_ =	shalt  }
0x85: {  	_ =	shalt  }
0x86: {  	_ =	shalt  }
0x87: {  	_ =	shalt  }
.Lfunc_end0:
.L_simem_size_0:
called_computation.2_lowered:
.L_overlay_start_0:
0x88: {  	s2 =	sld [smem:$0x3FD9]  }
0x89: {  	s3 =	sld [smem:$0x3FFE];
	_ =	sdelay $0x1  }
0x8a: {  	s1 =	srdreg.scid  }
0x8b: {  	s0 =	sand.u32 $0x1, s1  }
0x8c: {  	s16 =	sshll.u32 s0, $0xA;
	s2 =	sadd.s32 s3, s2  }
0x8d: {  	s2 =	sadd.s32 s2, s16  }
0x8e: {  	[smem:$0x3FBF] =	sst s2  }
0x8f: {  	_ = 	snop  }
0x90: {  	(tm) =	ssettm $0x1  }
0x91: {  	s17 =	sld [smem:$0x3FFB];
	_ =	sdelay $0x3  }
0x92: {  	_ =	strace s17  }
0x93: {  	s2 =	sld [smem:$0x3FFC];
	_ =	sdelay $0x3  }
0x94: {  	_ =	strace s2  }
0x95: {  	s2 =	sld [smem:$0x3FFD];
	_ =	sdelay $0x3  }
0x96: {  	_ =	strace s2  }
0x97: {  	_ =	strace $0x8FFFFFFF  }
0x98: {  	s18 =	sld [smem:$0x3FDB];
	_ =	sdelay $0x1  }
0x99: {  	s19 =	simm.s32 $_scs_section_size  }
0x9a: {  	s4 =	simm.s32 $_size__tile_overlayer_lowered;
	s5 =	simm.s32 $_tile_overlayer_lowered  }
0x9b: {  	s22 =	simm.s32 $0x1BFF;
	s21 =	sshll.u32 s5, $0x1;
	s2 =	sadd.s32 s19, s18  }
0x9c: {  	s6 =	simm.s32 $0x0;
	s20 =	sshll.u32 s4, $0x1;
	s4 =	sadd.s32 s21, s2  }
0x9d: {  	[timem:s6], [sflag:s22] =	dma.local [hbm:s4], s20  }
0x9e: {  	_ =	swait.ge [sflag:s22], s20  }
0x9f: {  	s3 =	ssub.s32 $0x0, s20;
	[sflag:s22] =	ssyncset.done $0x0  }
0xa0: {  	[sflag:s22] =	ssyncadd.s32 s3;
	_ =	sdelay $0x1  }
0xa1: {  	s23 =	simm.s32 $0x1B8B  }
0xa2: {  	_ =	swait.ge [sflag:s23], $0x1  }
0xa3: {  	[sflag:s23] =	ssyncset.done $0x0  }
0xa4: {  	s25 =	simm.s32 $0x1B8E;
	s24 =	sld [smem:$0x3FFE];
	[sflag:s23] =	ssyncadd.s32 $0xFFFFFFFF  }
0xa5: {  	s26 =	simm.s32 $execute0_lowered;
	[smem:$0x3FD2] =	sst s25  }
0xa6: {  	s4 =	sshll.u32 s26, $0x1;
	_ =	strace $0x8000004C;
	[dreg:$0x1] =	wrdreg $0xFFFFFFFF  }
0xa7: {  	s28 =	simm.s32 $_size_execute0_lowered;
	s2 =	sadd.s32 s2, s4;
	[dreg:$0x0] =	wrdreg $0x0  }
0xa8: {  	s4 =	sshll.u32 s28, $0x1;
	[dreg:$0x2] =	wrdreg s2  }
0xa9: {  	[dreg:$0x3] =	wrdreg s4  }
0xaa: {  	[dreg:$0x4] =	wrdreg $0xC0  }
0xab: {  	_ =	task [dreg:s6], $0x5FFFF  }
0xac: {  	[dreg:$0x1] =	wrdreg $0xFFFFFFFF  }
0xad: {  	[dreg:$0x0] =	wrdreg $0x60  }
0xae: {  	[dreg:$0x2] =	wrdreg s24  }
0xaf: {  	[dreg:$0x3] =	wrdreg $0x6F000  }
0xb0: {  	[dreg:$0x4] =	wrdreg $0x9  }
0xb1: {  	_ =	task.clear_ibuf [dreg:s6], $0x5FFFF;
	_ =	strace $0x9000004C  }
0xb2: {  	s29 =	simm.s32 $0x9;
	_ =	strace $0x8000004E  }
0xb3: {  	_ =	swait.ge [sflag:s29], $0x1  }
0xb4: {  	[sflag:s29] =	ssyncadd.s32 $0xFFFFFFFF  }
0xb5: {  	_ =	strace $0x9000004E  }
0xb6: {  	_ =	sfence  }
0xb7: {  	s30 =	sld [smem:$0x0];
	_ =	sdelay $0x2  }
0xb8: {  	s31 =	sshll.u32 s1, $0xD;
	s1 =	sshrl.u32 s1, $0x2  }
0xb9: {  	s3 =	sand.u32 $0x4000, s31;
	s1 =	sadd.s32 s1, s30  }
0xba: {  	s0 =	sor.u32 s3, s0;
	s1 =	sshll.u32 s1, $0x11  }
0xbb: {  	s0 =	sor.u32 s1, s0  }
0xbc: {  	s0 =	sadd.s32 $0x8F2B, s0  }
0xbd: {  	[sflag:s0] =	ssyncadd.remote.s32 $0x1  }
0xbe: {  	_ =	sfence.sel $0xFFFF  }
0xbf: {  	[dreg:$0x0] =	wrdreg $0xFFFFFFFF;
	(pc) =	sbr.abs _section_cstart, $3  }
0xc0: {  	[dreg:$0x1] =	wrdreg $0xFFFFFFFF  }
0xc1: {  	_ =	task.clear_ibuf [dreg:s6], $0x2FFFF;
	_ =	strace $0x9FFFFFFF  }
0xc2: {  	(tm) =	ssettm $0x7FFFFFFF  }
0xc3: {  	_ =	shalt  }
tec
execute0_lowered:
.L_overlay_start_1:
0x0: {  	(tag) =	ssettag $0x1  }
0x1: {  	s1 =	srdreg.scid  }
0x2: {  	s0 =	stileid.u32;
	s6 =	rddreg [dreg:$0x0]  }
0x3: {  	s2 =	rddreg [dreg:$0x1];
	s3 =	simm.s32 $0x0;
	s13 =	simm.s32 $0x3  }
0x4: {  	s14 =	simm.s32 $0x4F00;
	s15 =	simm.s32 $0x1;
	s16 =	simm.s32 $0x80  }
0x5: {  	s17 =	simm.s32 $0x4E80;
	s18 =	simm.s32 $0x5;
	s19 =	simm.s32 $0x0  }
0x6: {  	s5 =	sand.u32 $0x1, s1;
	s28 =	sshll.u32 s0, $0x1;
	s8 =	smul.u32 $0x9E00, s0  }
0x7: {  	[smem:$0x7FF] =	sst s3;
	s4 =	sadd.s32 $0xB800, s6;
	s31 =	sshll.u32 s0, $0x6  }
0x8: {  	s1 =	sor.u32 s5, s28;
	s9 =	smul.u32 $0x9E000, s5;
	s5 =	ssub.s32 $0x2, s5  }
0x9: {  	s7 =	smul.u32 $0x4F0, s1;
	s1 =	rddreg [dreg:$0x2];
	_ =	strace $0x8000004D  }
0xa: {  	s29 =	sshrl.u32 s8, $0x4;
	s30 =	sshrl.u32 s5, $0x1;
	s9 =	sadd.s32 s8, s9  }
0xb: {  	s8 =	sshrl.u32 s8, $0x1;
	s11 =	ssub.s32 s5, s30;
	s10 =	sadd.s32 s7, s6  }
0xc: {  	s7 =	sadd.s32 s29, s6;
	s9 =	sshrl.u32 s9, $0x4;
	s12 =	sadd.s32 s8, s2  }
0xd: {  	s9 =	sadd.s32 s9, s6;
	s5 =	sadd.s32 $0x1A600, s7;
	s6 =	sor.u32 $0x1C04, s31  }
0xe: {  	s7 =	sadd.s32 $0x24400, s10;
	s8 =	sadd.s32 $0x1A00, s10;
	s10 =	smax.u32 s11, $0x1  }
0xf: {  	s11 =	sshrl.u32 s12, $0x3;
	s12 =	simm.s32 $0x4;
	s9 =	sadd.s32 $0x2E200, s9  }
.LBB2_1:
0x10: {  	[spmem:s11], [sflag:s6] =	dma.local [hbm:s5], $0x9E0  }
0x11: {  	_ =	swait.ge [sflag:s12], $0x9E0  }
0x12: {  	[sflag:s12] =	ssyncset.done $0x0  }
0x13: {  	[sflag:s12] =	ssyncadd.s32 $0xFFFFF620  }
0x14: {  	[tilespmem:s3], [sflag:$0x3] =	stream.linear.gather [hbm4b:s7+s3], $0x2780, $0x38;
	[tilespmem:$0xBE00] =	vst v63  }
0x15: {  	_ =	swait.ge [sflag:s13], $0x2780  }
0x16: {  	[sflag:s13] =	ssyncset.done $0x0  }
0x17: {  	s20 =	simm.s32 $0x2780;
	[sflag:s13] =	ssyncadd.s32 $0xFFFFD880  }
0x18: {  	[tilespmem:s20], [sflag:$0x3] =	stream.linear.gather [hbm4b:s8+s3], $0x2780, $0x38;
	[tilespmem:$0xBE00] =	vst v63  }
0x19: {  	_ =	swait.ge [sflag:s13], $0x2780  }
0x1a: {  	s21 =	sand.u32 $0x1, s3;
	[sflag:s13] =	ssyncset.done $0x0  }
0x1b: {  	p0 =	seq.s32 s21, $0x1;
	[sflag:s13] =	ssyncadd.s32 $0xFFFFD880  }
0x1c: {  	s21 =	simm.s32 @p0 $0x2;
	[bflag:$0x0] =	sbarrier.arrive $0xFFFF  }
0x1d: {  	[tilespmem:s14], [sflag:$0x1] =	stream.indirect.gather [hbm4b:s4+s16], $0x20, s3, s16, $0xb8;
	[tilespmem:$0xBE00] =	vst v63  }
0x1e: {  	_ =	swait.ge @p0 [sflag:s21], $0x1000  }
0x1f: {  	[sflag:s21] =	ssyncset.done @p0 $0x0  }
0x20: {  	s22 =	simm.s32 @p0 $0x4F00;
	[sflag:s21] =	ssyncadd.s32 @p0 $0xFFFFF000;
	s21 =	simm.s32 @p0 $0x80  }
0x21: {  	[tilespmem:s22], [sflag:$0x1] =	stream.indirect.gather @p0 [hbm4b:s4+s21], $0x20, s16, s21, $0xb8;
	[tilespmem:$0xBE00] =	vst v63  }
0x22: {  	s23 =	simm.s32 @!p0 $0x1;
	s22 =	simm.s32 @p0 $0x5F00  }
0x23: {  	[spmem:s2] =	stream.indirect.scatter.add.bf16 @p0 [tilespmem:s22], [sflag:$0x4], $0x20, s20, s21, $0xb8;
	[tilespmem:$0xBE00] =	vst v63  }
0x24: {  	_ =	swait.ge @!p0 [sflag:s23], $0x1000  }
0x25: {  	s22 =	simm.s32 @!p0 $0x5;
	[sflag:s23] =	ssyncset.done @!p0 $0x0  }
0x26: {  	s21 =	simm.s32 @!p0 $0x80;
	[sflag:s23] =	ssyncadd.s32 @!p0 $0xFFFFF000;
	s23 =	simm.s32 @!p0 $0x5F00  }
0x27: {  	[tilespmem:s23], [sflag:$0x2] =	stream.indirect.gather @!p0 [hbm4b:s4+s21], $0x20, s16, s21, $0xb8;
	[tilespmem:$0xBE00] =	vst v63  }
0x28: {  	s24 =	simm.s32 $0x1;
	s22 =	simm.s32 @p0 $0x4;
	s23 =	simm.s32 @!p0 $0x4F00  }
0x29: {  	[spmem:s2] =	stream.indirect.scatter.add.bf16 @!p0 [tilespmem:s23], [sflag:$0x5], $0x20, s20, s21, $0xb8;
	[tilespmem:$0xBE00] =	vst v63  }
0x2a: {  	s24 =	sand.u32 $0x1, s24;
	s23 =	simm.s32 $0x2;
	_ =	swait.ge [sflag:s22], $0x1000  }
0x2b: {  	s20 =	simm.s32 $0x100;
	s21 =	simm.s32 $0x2800;
	[sflag:s22] =	ssyncset.done $0x0  }
.LBB2_2:
0x2c: {  	p1 =	seq.s32 s24, $0x1  }
0x2d: {  	[sflag:s22] =	ssyncadd.s32 $0xFFFFF000;
	s24 =	smov.u32 s23;
	s23 =	sadd.s32 $0x1, s23  }
0x2e: {  	p0 =	sne.s32 s23, $0x4E;
	s25 =	simm.s32 @p1 $0x2;
	s22 =	simm.s32 @!p1 $0x5  }
0x2f: {  	_ =	swait.ge @p1 [sflag:s25], $0x1000  }
0x30: {  	[sflag:s25] =	ssyncset.done @p1 $0x0  }
0x31: {  	s26 =	simm.s32 @p1 $0x4F00;
	[sflag:s25] =	ssyncadd.s32 @p1 $0xFFFFF000;
	s25 =	simm.s32 @p1 $0x80  }
0x32: {  	[tilespmem:s26], [sflag:$0x1] =	stream.indirect.gather @p1 [hbm4b:s4+s25], $0x20, s20, s25, $0xb8;
	[tilespmem:$0xBE00] =	vst v63  }
0x33: {  	s28 =	simm.s32 @!p1 $0x1;
	s26 =	simm.s32 @p1 $0x5F00  }
0x34: {  	[spmem:s2] =	stream.indirect.scatter.add.bf16 @p1 [tilespmem:s26], [sflag:$0x4], $0x20, s21, s25, $0xb8;
	[tilespmem:$0xBE00] =	vst v63  }
0x35: {  	_ =	swait.ge @!p1 [sflag:s28], $0x1000  }
0x36: {  	[sflag:s28] =	ssyncset.done @!p1 $0x0  }
0x37: {  	s25 =	simm.s32 @!p1 $0x80;
	s26 =	simm.s32 @!p1 $0x5F00;
	[sflag:s28] =	ssyncadd.s32 @!p1 $0xFFFFF000  }
0x38: {  	[tilespmem:s26], [sflag:$0x2] =	stream.indirect.gather @!p1 [hbm4b:s4+s25], $0x20, s20, s25, $0xb8;
	[tilespmem:$0xBE00] =	vst v63  }
.Ltmp0:
0x39: {  	_ = 	snop;
	(pc) =	sbr.rel @p0 .LBB2_2-.Ltmp0, $4  }
0x3a: {  	s22 =	simm.s32 @p1 $0x4;
	s26 =	simm.s32 @!p1 $0x4F00  }
0x3b: {  	[spmem:s2] =	stream.indirect.scatter.add.bf16 @!p1 [tilespmem:s26], [sflag:$0x5], $0x20, s21, s25, $0xb8;
	[tilespmem:$0xBE00] =	vst v63  }
0x3c: {  	s20 =	sadd.s32 $0x80, s20;
	_ =	swait.ge [sflag:s22], $0x1000  }
0x3d: {  	s24 =	sand.u32 $0x1, s24;
	s21 =	sadd.s32 $0x80, s21;
	[sflag:s22] =	ssyncset.done $0x0  }
0x3e: {  	p0 =	seq.s32 s24, $0x1  }
0x3f: {  	[sflag:s22] =	ssyncadd.s32 $0xFFFFF000;
	s22 =	simm.s32 @p0 $0x2  }
0x40: {  	_ =	swait.ge @p0 [sflag:s22], $0x1000  }
0x41: {  	[sflag:s22] =	ssyncset.done @p0 $0x0  }
0x42: {  	s23 =	simm.s32 @p0 $0x4F00;
	[sflag:s22] =	ssyncadd.s32 @p0 $0xFFFFF000;
	s22 =	simm.s32 @p0 $0x80  }
0x43: {  	[tilespmem:s23], [sflag:$0x1] =	stream.indirect.gather @p0 [hbm4b:s4+s22], $0x20, s20, s22, $0xb8;
	[tilespmem:$0xBE00] =	vst v63  }
0x44: {  	s24 =	simm.s32 @!p0 $0x1;
	s23 =	simm.s32 @p0 $0x5F00  }
0x45: {  	[spmem:s2] =	stream.indirect.scatter.add.bf16 @p0 [tilespmem:s23], [sflag:$0x4], $0x20, s21, s22, $0xb8;
	[tilespmem:$0xBE00] =	vst v63  }
0x46: {  	_ =	swait.ge @!p0 [sflag:s24], $0x1000  }
0x47: {  	s22 =	simm.s32 @!p0 $0x5;
	[sflag:s24] =	ssyncset.done @!p0 $0x0  }
0x48: {  	s23 =	simm.s32 @!p0 $0x80;
	[sflag:s24] =	ssyncadd.s32 @!p0 $0xFFFFF000;
	s24 =	simm.s32 @!p0 $0x5F00  }
0x49: {  	[tilespmem:s24], [sflag:$0x2] =	stream.indirect.gather @!p0 [hbm4b:s4+s23], $0x20, s20, s23, $0xb8;
	[tilespmem:$0xBE00] =	vst v63  }
0x4a: {  	s22 =	simm.s32 @p0 $0x4;
	s20 =	simm.s32 @!p0 $0x4F00  }
0x4b: {  	[spmem:s2] =	stream.indirect.scatter.add.bf16 @!p0 [tilespmem:s20], [sflag:$0x5], $0x20, s21, s23, $0xb8;
	[tilespmem:$0xBE00] =	vst v63  }
0x4c: {  	_ =	swait.ge [sflag:s22], $0x1000  }
0x4d: {  	[sflag:s22] =	ssyncset.done $0x0  }
0x4e: {  	[sflag:s22] =	ssyncadd.s32 $0xFFFFF000  }
0x4f: {  	_ =	swait.ge [sflag:s15], $0x1000  }
0x50: {  	[sflag:s15] =	ssyncset.done $0x0  }
0x51: {  	[sflag:s15] =	ssyncadd.s32 $0xFFFFF000  }
0x52: {  	[spmem:s2] =	stream.indirect.scatter.add.bf16 [tilespmem:s14], [sflag:$0x5], $0x20, s17, s16, $0xb8;
	[tilespmem:$0xBE00] =	vst v63  }
0x53: {  	_ =	swait.ge [sflag:s18], $0x1000  }
0x54: {  	s19 =	sadd.s32 $0x1, s19;
	[sflag:s18] =	ssyncset.done $0x0  }
0x55: {  	p0 =	sne.s32 s19, s10;
	[sflag:s18] =	ssyncadd.s32 $0xFFFFF000  }
.Ltmp1:
0x56: {  	[bflag:$0x0] =	sbarrier.arrive $0xFFFF;
	(pc) =	sbr.rel @p0 .LBB2_1-.Ltmp1, $4  }
0x57: {  	[hbm:s9], [sflag:s6] =	dma.local [spmem:s11], $0x9E0  }
0x58: {  	_ =	swait.ge [sflag:s12], $0x9E0  }
0x59: {  	[sflag:s12] =	ssyncset.done $0x0  }
0x5a: {  	[sflag:s12] =	ssyncadd.s32 $0xFFFFF620  }
0x5b: {  	_ =	sfence.sel $0x180000  }
0x5c: {  	[bflag:$0x0] =	sbarrier.arrive $0xFFFF  }
0x5d: {  	p0 =	sne.s32 s0, $0x0;
	_ =	strace $0x9000004D  }
0x5e: {  	s0 =	sadd.s32 @!p0 $0x100000, s1;
	[bflag:$0x2] =	sbarrier.arrive $0xFFFF  }
0x5f: {  	[sflag:s0] =	ssyncadd.tile.s32 @!p0 $0x1;
	_ =	shalt  }
.Lfunc_end2:
_tile_overlayer_lowered:
.L_overlay_start_2:
0x60: {  	(tag) =	ssettag $0x2  }
0x61: {  	s0 =	rddreg [dreg:$0x0];
	s2 =	stileid.u32  }
0x62: {  	s1 =	rddreg [dreg:$0x1];
	p0 =	sne.s32 s2, $0x0  }
0x63: {  	s3 =	rddreg [dreg:$0x2];
	[bflag:$0x3] =	sbarrier.arrive $0xFFFF;
	s2 =	simm.s32 @!p0 $0x1C04  }
0x64: {  	[timem:s3], [sflag:s2] =	dma.local @!p0 [hbm:s0], s1  }
0x65: {  	s0 =	simm.s32 @!p0 $0x4  }
0x66: {  	_ =	swait.ge @!p0 [sflag:s0], s1  }
0x67: {  	s1 =	ssub.s32 @!p0 $0x0, s1;
	[sflag:s0] =	ssyncset.done @!p0 $0x0  }
0x68: {  	[sflag:s0] =	ssyncadd.s32 @!p0 s1  }
0x69: {  	[bflag:$0x3] =	sbarrier.arrive $0xFFFF  }
0x6a: {  	_ =	shalt  }

// kernel: kernel.8.cloned.1.call-start
scs
__scs_entry_jumppad:
0x0: {  	(pc) =	sbr.rel $0x88, $3  }
0x1: {  	(tag) =	ssettag $0x0;
	lr =	simm.s32 $0x1  }
0x2: {  	[smem:$0x3F98] =	sst lr;
	_ =	strace $0xD0000000  }
0x3: {  	_ = 	snop  }
0x4: {  	_ = 	snop  }
0x5: {  	_ = 	snop  }
0x6: {  	_ = 	snop  }
0x7: {  	_ = 	snop  }
__scs_overlays_trampoline_lowered:
0x8: {  	[smem:$0x3FA7] =	sst s0  }
0x9: {  	[smem:$0x3FA8] =	sst s1  }
0xa: {  	[smem:$0x3FA9] =	sst s2  }
0xb: {  	[smem:$0x3FAA] =	sst s3  }
0xc: {  	[smem:$0x3FAB] =	sst s4  }
0xd: {  	[smem:$0x3FAC] =	sst s5  }
0xe: {  	[smem:$0x3FAD] =	sst s6  }
0xf: {  	[smem:$0x3FAE] =	sst s7  }
0x10: {  	[smem:$0x3FAF] =	sst s8  }
0x11: {  	[smem:$0x3FB0] =	sst s9;
	s0 =	simm.s32 @!p0 $0x0  }
0x12: {  	s1 =	sld [smem:$0x3F96];
	s0 =	simm.s32 @p0 $0x1  }
0x13: {  	[smem:$0x3FB1] =	sst s0;
	s0 =	simm.s32 @!p1 $0x0  }
0x14: {  	s2 =	sld [smem:$0x3F95];
	s0 =	simm.s32 @p1 $0x1  }
0x15: {  	[smem:$0x3FB2] =	sst s0;
	s0 =	simm.s32 @!p2 $0x0  }
0x16: {  	s3 =	sld [smem:$0x3FDB];
	s0 =	simm.s32 @p2 $0x1  }
0x17: {  	s4 =	simm.s32 $0x1BF5;
	[smem:$0x3FB4] =	sst s0  }
0x18: {  	s0 =	sld [smem:$0x3F97];
	_ =	swait.ge [sflag:s4], $0x0  }
0x19: {  	s7 =	sld [smem:$0x3F98]  }
0x1a: {  	s8 =	sadd.s32 $0xFFFFE003, lr  }
0x1b: {  	s9 =	sadd.s32 $0xFFFFFEF7, lr;
	s5 =	simm.s32 $0xFFFFFFFF;
	p2 =	slt.u32 s8, $0xFFFFF086  }
0x1c: {  	p1 =	slt.u32 s9, $0xF7A;
	s5 =	simm.s32 @!p2 $0x0  }
0x1d: {  	s5 =	simm.s32 @p1 $0x1;
	p0 =	seq.s32 s7, s2  }
0x1e: {  	s7 =	smul.u32 @!p0 $0xF7A, s2;
	p2 =	seq.s32 @!p0 s5, $0x0  }
0x1f: {  	s9 =	smul.u32 $0xF7A, s1;
	s8 =	simm.s32 @!p0 $0x1BF5;
	p2 =	por !p2, p0  }
0x20: {  	[sflag:s8] =	ssyncset.s32 @!p0 $0xFFFFF086;
	s6 =	sadd.s32 @!p0 s3, s7;
	s7 =	simm.s32 @!p0 $0x108  }
0x21: {  	s3 =	sadd.s32 s3, s9;
	s6 =	sadd.s32 @!p0 $0x88, s6;
	s7 =	simm.s32 @p2 $0x1082  }
0x22: {  	[simem:s7], [sflag:s8] =	dma.local @!p0 [hbm:s6], $0xF7A  }
0x23: {  	s9 =	sor.u32 $0xD0000000, s2;
	s6 =	simm.s32 $0x108;
	_ =	swait.ge @!p0 [sflag:s8], $0x0  }
0x24: {  	s3 =	sadd.s32 $0x88, s3;
	s6 =	simm.s32 @!p1 $0x1082;
	[sflag:s4] =	ssyncset.s32 $0xFFFFF086  }
0x25: {  	[simem:s6], [sflag:s4] =	dma.local [hbm:s3], $0xF7A  }
0x26: {  	[smem:$0x3F98] =	sst s1;
	(tag) =	ssettag s2;
	_ =	strace s9  }
0x27: {  	s1 =	sld [smem:$0x3FA8]  }
0x28: {  	s2 =	sld [smem:$0x3FA9]  }
0x29: {  	s4 =	sld [smem:$0x3FAB]  }
0x2a: {  	p0 =	seq.s32 s5, $0x0;
	s5 =	sld [smem:$0x3FAC]  }
0x2b: {  	s6 =	sld [smem:$0x3FAD]  }
0x2c: {  	s7 =	sld [smem:$0x3FAE]  }
0x2d: {  	s3 =	simm.s32 $0x108;
	s8 =	sld [smem:$0x3FAF]  }
0x2e: {  	s3 =	simm.s32 @!p0 $0x1082;
	s9 =	sld [smem:$0x3FB0]  }
0x2f: {  	lr =	sadd.s32 s0, s3;
	s0 =	sld [smem:$0x3FA7]  }
0x30: {  	s3 =	sld [smem:$0x3FAA]  }
0x31: {  	[smem:$0x3FB3] =	sst s10  }
0x32: {  	s10 =	sld [smem:$0x3FB1];
	_ =	sdelay $0x3  }
0x33: {  	p0 =	seq.s32 s10, $0x1;
	s10 =	sld [smem:$0x3FB3];
	_ =	sdelay $0x3  }
0x34: {  	[smem:$0x3FB3] =	sst s10  }
0x35: {  	s10 =	sld [smem:$0x3FB2];
	_ =	sdelay $0x3  }
0x36: {  	p1 =	seq.s32 s10, $0x1;
	s10 =	sld [smem:$0x3FB3];
	_ =	sdelay $0x3  }
0x37: {  	[smem:$0x3FB3] =	sst s10  }
0x38: {  	s10 =	sld [smem:$0x3FB4]  }
0x39: {  	_ = 	snop;
	(pc) =	sbr.ind lr, $3  }
0x3a: {  	_ = 	snop  }
0x3b: {  	_ = 	snop  }
0x3c: {  	p2 =	seq.s32 s10, $0x1;
	s10 =	sld [smem:$0x3FB3]  }
0x3d: {  	_ =	shalt  }
0x3e: {  	_ =	shalt  }
0x3f: {  	_ =	shalt  }
0x40: {  	_ =	shalt  }
0x41: {  	_ =	shalt  }
0x42: {  	_ =	shalt  }
0x43: {  	_ =	shalt  }
0x44: {  	_ =	shalt  }
0x45: {  	_ =	shalt  }
0x46: {  	_ =	shalt  }
0x47: {  	_ =	shalt  }
0x48: {  	_ =	shalt  }
0x49: {  	_ =	shalt  }
0x4a: {  	_ =	shalt  }
0x4b: {  	_ =	shalt  }
0x4c: {  	_ =	shalt  }
0x4d: {  	_ =	shalt  }
0x4e: {  	_ =	shalt  }
0x4f: {  	_ =	shalt  }
0x50: {  	_ =	shalt  }
0x51: {  	_ =	shalt  }
0x52: {  	_ =	shalt  }
0x53: {  	_ =	shalt  }
0x54: {  	_ =	shalt  }
0x55: {  	_ =	shalt  }
0x56: {  	_ =	shalt  }
0x57: {  	_ =	shalt  }
0x58: {  	_ =	shalt  }
0x59: {  	_ =	shalt  }
0x5a: {  	_ =	shalt  }
0x5b: {  	_ =	shalt  }
0x5c: {  	_ =	shalt  }
0x5d: {  	_ =	shalt  }
0x5e: {  	_ =	shalt  }
0x5f: {  	_ =	shalt  }
0x60: {  	_ =	shalt  }
0x61: {  	_ =	shalt  }
0x62: {  	_ =	shalt  }
0x63: {  	_ =	shalt  }
0x64: {  	_ =	shalt  }
0x65: {  	_ =	shalt  }
0x66: {  	_ =	shalt  }
0x67: {  	_ =	shalt  }
0x68: {  	_ =	shalt  }
0x69: {  	_ =	shalt  }
0x6a: {  	_ =	shalt  }
0x6b: {  	_ =	shalt  }
0x6c: {  	_ =	shalt  }
0x6d: {  	_ =	shalt  }
0x6e: {  	_ =	shalt  }
0x6f: {  	_ =	shalt  }
0x70: {  	_ =	shalt  }
0x71: {  	_ =	shalt  }
0x72: {  	_ =	shalt  }
0x73: {  	_ =	shalt  }
0x74: {  	_ =	shalt  }
0x75: {  	_ =	shalt  }
0x76: {  	_ =	shalt  }
0x77: {  	_ =	shalt  }
0x78: {  	_ =	shalt  }
0x79: {  	_ =	shalt  }
0x7a: {  	_ =	shalt  }
0x7b: {  	_ =	shalt  }
0x7c: {  	_ =	shalt  }
0x7d: {  	_ =	shalt  }
0x7e: {  	_ =	shalt  }
0x7f: {  	_ =	shalt  }
0x80: {  	_ =	shalt  }
0x81: {  	_ =	shalt  }
0x82: {  	_ =	shalt  }
0x83: {  	_ =	shalt  }
0x84: {  	_ =	shalt  }
0x85: {  	_ =	shalt  }
0x86: {  	_ =	shalt  }
0x87: {  	_ =	shalt  }
.Lfunc_end0:
.L_simem_size_0:
called_computation_lowered:
.L_overlay_start_0:
0x88: {  	s2 =	sld [smem:$0x3FD9]  }
0x89: {  	s3 =	sld [smem:$0x3FFE];
	_ =	sdelay $0x1  }
0x8a: {  	s1 =	srdreg.scid  }
0x8b: {  	s0 =	sand.u32 $0x1, s1  }
0x8c: {  	s17 =	sshll.u32 s0, $0xA;
	s2 =	sadd.s32 s3, s2  }
0x8d: {  	s2 =	sadd.s32 s2, s17  }
0x8e: {  	[smem:$0x3FBF] =	sst s2  }
0x8f: {  	_ = 	snop  }
0x90: {  	s2 =	sld [smem:$0x3FD0];
	(tm) =	ssettm $0x1  }
0x91: {  	s18 =	sld [smem:$0x3FFB];
	_ =	sdelay $0x3  }
0x92: {  	_ =	strace s18  }
0x93: {  	s3 =	sld [smem:$0x3FFC];
	_ =	sdelay $0x3  }
0x94: {  	_ =	strace s3  }
0x95: {  	s3 =	sld [smem:$0x3FFD];
	_ =	sdelay $0x3  }
0x96: {  	_ =	strace s3  }
0x97: {  	_ =	strace $0x8FFFFFFF  }
0x98: {  	s19 =	sld [smem:$0x3FDB];
	_ =	sdelay $0x1  }
0x99: {  	s4 =	simm.s32 $_scs_section_size  }
0x9a: {  	s5 =	simm.s32 $_size__tile_overlayer_lowered;
	s6 =	simm.s32 $_tile_overlayer_lowered  }
0x9b: {  	s22 =	simm.s32 $0x1BFF;
	s21 =	sshll.u32 s6, $0x1;
	s3 =	sadd.s32 s4, s19  }
0x9c: {  	s7 =	simm.s32 $0x0;
	s20 =	sshll.u32 s5, $0x1;
	s5 =	sadd.s32 s21, s3  }
0x9d: {  	[timem:s7], [sflag:s22] =	dma.local [hbm:s5], s20  }
0x9e: {  	_ =	swait.ge [sflag:s22], s20  }
0x9f: {  	s4 =	ssub.s32 $0x0, s20;
	[sflag:s22] =	ssyncset.done $0x0  }
0xa0: {  	[sflag:s22] =	ssyncadd.s32 s4;
	_ =	sdelay $0x1  }
0xa1: {  	s23 =	simm.s32 $0x1B8B  }
0xa2: {  	_ =	swait.ge [sflag:s23], $0x1  }
0xa3: {  	[sflag:s23] =	ssyncset.done $0x0  }
0xa4: {  	s25 =	simm.s32 $0x1B8E;
	s24 =	sld [smem:$0x3FFE];
	[sflag:s23] =	ssyncadd.s32 $0xFFFFFFFF  }
0xa5: {  	s26 =	simm.s32 $execute0_lowered;
	[smem:$0x3FD2] =	sst s25  }
0xa6: {  	s5 =	sshll.u32 s26, $0x1;
	_ =	strace $0x80000046;
	[dreg:$0x1] =	wrdreg $0xFFFFFFFF  }
0xa7: {  	s28 =	simm.s32 $_size_execute0_lowered;
	s3 =	sadd.s32 s3, s5;
	[dreg:$0x0] =	wrdreg $0x0  }
0xa8: {  	s5 =	sshll.u32 s28, $0x1;
	[dreg:$0x2] =	wrdreg s3  }
0xa9: {  	[dreg:$0x3] =	wrdreg s5  }
0xaa: {  	[dreg:$0x4] =	wrdreg $0xC0  }
0xab: {  	_ =	task [dreg:s7], $0x5FFFF  }
0xac: {  	[dreg:$0x1] =	wrdreg $0xFFFFFFFF  }
0xad: {  	[dreg:$0x0] =	wrdreg $0x60  }
0xae: {  	[dreg:$0x2] =	wrdreg s24  }
0xaf: {  	[dreg:$0x3] =	wrdreg s2  }
0xb0: {  	[dreg:$0x4] =	wrdreg $0x2F800  }
0xb1: {  	[dreg:$0x5] =	wrdreg $0x9  }
0xb2: {  	_ =	task.clear_ibuf [dreg:s7], $0x6FFFF;
	_ =	strace $0x90000046  }
0xb3: {  	s29 =	simm.s32 $0x9;
	_ =	strace $0x80000048  }
0xb4: {  	_ =	swait.ge [sflag:s29], $0x1  }
0xb5: {  	[sflag:s29] =	ssyncadd.s32 $0xFFFFFFFF  }
0xb6: {  	_ =	strace $0x90000048  }
0xb7: {  	_ =	sfence  }
0xb8: {  	s30 =	sld [smem:$0x0];
	_ =	sdelay $0x2  }
0xb9: {  	s31 =	sshll.u32 s1, $0xD;
	s1 =	sshrl.u32 s1, $0x2  }
0xba: {  	s3 =	sand.u32 $0x4000, s31;
	s1 =	sadd.s32 s1, s30  }
0xbb: {  	s0 =	sor.u32 s3, s0;
	s1 =	sshll.u32 s1, $0x11  }
0xbc: {  	s0 =	sor.u32 s1, s0  }
0xbd: {  	s0 =	sadd.s32 $0x8F2B, s0  }
0xbe: {  	[sflag:s0] =	ssyncadd.remote.s32 $0x1  }
0xbf: {  	_ =	sfence.sel $0xFFFF  }
0xc0: {  	[dreg:$0x0] =	wrdreg $0xFFFFFFFF;
	(pc) =	sbr.abs _section_cstart, $3  }
0xc1: {  	[dreg:$0x1] =	wrdreg $0xFFFFFFFF  }
0xc2: {  	_ =	task.clear_ibuf [dreg:s7], $0x2FFFF;
	_ =	strace $0x9FFFFFFF  }
0xc3: {  	(tm) =	ssettm $0x7FFFFFFF  }
tec
execute0_lowered:
.L_overlay_start_1:
0x0: {  	(tag) =	ssettag $0x1  }
0x1: {  	s1 =	srdreg.scid;
	s5 =	rddreg [dreg:$0x0]  }
0x2: {  	s0 =	stileid.u32;
	s2 =	rddreg [dreg:$0x1]  }
0x3: {  	s3 =	rddreg [dreg:$0x2];
	s4 =	simm.s32 $0x0;
	s13 =	simm.s32 $0x1  }
0x4: {  	s14 =	simm.s32 $0x80;
	s15 =	simm.s32 $0x0;
	s6 =	sand.u32 $0x1, s1  }
0x5: {  	s30 =	sshll.u32 s0, $0x1;
	s8 =	smul.u32 $0x2780, s0;
	[smem:$0x7FF] =	sst s4  }
0x6: {  	s31 =	sshll.u32 s0, $0x6;
	s1 =	sor.u32 s6, s30;
	s9 =	smul.u32 $0x27800, s6  }
0x7: {  	s6 =	ssub.s32 $0x2, s6;
	s7 =	smul.u32 $0x4F0, s1;
	s1 =	rddreg [dreg:$0x3]  }
0x8: {  	_ =	strace $0x80000047;
	s10 =	sshrl.u32 s8, $0x3;
	s11 =	sshrl.u32 s6, $0x1  }
0x9: {  	s12 =	sadd.s32 s8, s3;
	s9 =	sadd.s32 s8, s9;
	s10 =	sadd.s32 s10, s5  }
0xa: {  	s11 =	ssub.s32 s6, s11;
	s6 =	sor.u32 $0x1C02, s31;
	s9 =	sshrl.u32 s9, $0x3  }
0xb: {  	s7 =	sadd.s32 s7, s5;
	s9 =	sadd.s32 s9, s5;
	s5 =	sadd.s32 $0xB800, s10  }
0xc: {  	s7 =	sadd.s32 $0x1A00, s7;
	s10 =	sshrl.u32 s12, $0x3;
	s12 =	simm.s32 $0x2780  }
0xd: {  	s8 =	sadd.s32 $0x10800, s9;
	s9 =	smax.u32 s11, $0x1;
	s11 =	simm.s32 $0x2  }
.LBB2_1:
0xe: {  	[spmem:s10], [sflag:s6] =	dma.local [hbm:s5], $0x4F0  }
0xf: {  	_ =	swait.ge [sflag:s11], $0x4F0  }
0x10: {  	[sflag:s11] =	ssyncset.done $0x0  }
0x11: {  	[sflag:s11] =	ssyncadd.s32 $0xFFFFFB10  }
0x12: {  	[tilespmem:s12], [sflag:$0x2] =	stream.linear.gather [hbm4b:s2+s4], $0x800, $0x38;
	[tilespmem:$0x5700] =	vst v63  }
0x13: {  	_ =	swait.ge [sflag:s11], $0x800  }
0x14: {  	[sflag:s11] =	ssyncset.done $0x0  }
0x15: {  	[sflag:s11] =	ssyncadd.s32 $0xFFFFF800  }
0x16: {  	[tilespmem:s4], [sflag:$0x1] =	stream.linear.gather [hbm4b:s7+s4], $0x2780, $0x38;
	[tilespmem:$0x5700] =	vst v63  }
0x17: {  	_ =	swait.ge [sflag:s13], $0x2780  }
0x18: {  	[sflag:s13] =	ssyncset.done $0x0  }
0x19: {  	[sflag:s13] =	ssyncadd.s32 $0xFFFFD880  }
0x1a: {  	s16 =	simm.s32 $0x0;
	[bflag:$0x0] =	sbarrier.arrive $0xFFFF  }
0x1b: {  	[spmem:s3] =	stream.indirect.scatter.add.f32 [tilespmem:s12], [sflag:$0x2], $0x10, s16, s14, $0xb8;
	[tilespmem:$0x5700] =	vst v63  }
0x1c: {  	_ =	swait.ge [sflag:s11], $0x800  }
0x1d: {  	s16 =	simm.s32 $0x200;
	[sflag:s11] =	ssyncset.done $0x0  }
.LBB2_2:
0x1e: {  	s17 =	sshra.s32 s16, $0x2;
	[sflag:s11] =	ssyncadd.s32 $0xFFFFF800;
	p0 =	sne.s32 s16, $0x9C00  }
0x1f: {  	[spmem:s3] =	stream.indirect.scatter.add.f32 [tilespmem:s12], [sflag:$0x2], $0x10, s17, s14, $0xb8;
	[tilespmem:$0x5700] =	vst v63  }
.Ltmp0:
0x20: {  	_ = 	snop;
	(pc) =	sbr.rel @p0 .LBB2_2-.Ltmp0, $4  }
0x21: {  	_ = 	snop  }
0x22: {  	s16 =	sadd.s32 $0x200, s16  }
0x23: {  	_ =	swait.ge [sflag:s11], $0x800  }
0x24: {  	[sflag:s11] =	ssyncset.done $0x0  }
0x25: {  	s15 =	sadd.s32 $0x1, s15  }
0x26: {  	[sflag:s11] =	ssyncadd.s32 $0xFFFFF800;
	p0 =	sne.s32 s15, s9  }
.Ltmp1:
0x27: {  	[bflag:$0x0] =	sbarrier.arrive $0xFFFF;
	(pc) =	sbr.rel @p0 .LBB2_1-.Ltmp1, $4  }
0x28: {  	[hbm:s8], [sflag:s6] =	dma.local [spmem:s10], $0x4F0  }
0x29: {  	_ =	swait.ge [sflag:s11], $0x4F0  }
0x2a: {  	[sflag:s11] =	ssyncset.done $0x0  }
0x2b: {  	[sflag:s11] =	ssyncadd.s32 $0xFFFFFB10  }
0x2c: {  	_ =	sfence.sel $0x180000  }
0x2d: {  	[bflag:$0x0] =	sbarrier.arrive $0xFFFF  }
0x2e: {  	p0 =	sne.s32 s0, $0x0;
	_ =	strace $0x90000047  }
0x2f: {  	s0 =	sadd.s32 @!p0 $0x100000, s1;
	[bflag:$0x2] =	sbarrier.arrive $0xFFFF  }
0x30: {  	[sflag:s0] =	ssyncadd.tile.s32 @!p0 $0x1;
	_ =	shalt  }
.Lfunc_end2:
_tile_overlayer_lowered:
.L_overlay_start_2:
0x31: {  	(tag) =	ssettag $0x2  }
0x32: {  	s0 =	rddreg [dreg:$0x0];
	s2 =	stileid.u32  }
0x33: {  	s1 =	rddreg [dreg:$0x1];
	p0 =	sne.s32 s2, $0x0  }
0x34: {  	s3 =	rddreg [dreg:$0x2];
	[bflag:$0x3] =	sbarrier.arrive $0xFFFF;
	s2 =	simm.s32 @!p0 $0x1C02  }
0x35: {  	[timem:s3], [sflag:s2] =	dma.local @!p0 [hbm:s0], s1  }
0x36: {  	s0 =	simm.s32 @!p0 $0x2  }
0x37: {  	_ =	swait.ge @!p0 [sflag:s0], s1  }
0x38: {  	s1 =	ssub.s32 @!p0 $0x0, s1;
	[sflag:s0] =	ssyncset.done @!p0 $0x0  }
0x39: {  	[sflag:s0] =	ssyncadd.s32 @!p0 s1  }
0x3a: {  	[bflag:$0x3] =	sbarrier.arrive $0xFFFF  }
0x3b: {  	_ =	shalt  }

</sc_bundles>
